<compile_context>
chip_gen: v7x
topology: tpu7x:2x2x1
jax: 0.10.2.dev20260603
libtpu: 0.0.44.dev20260713+nightly
codegen_flags: <defaults>
</compile_context>

<pallas_src>
import jax
import jax.numpy as jnp
from jax import lax
from jax.experimental import pallas as pl
from jax.experimental.pallas import tpu as pltpu
from jax.experimental.pallas import tpu_sc as plsc

N_NODES = 10000
N_EDGES = 320000
D = 128

NC = 2
NS = 16
CH = 32
NCH_F = 314
NCH_S = 311
EPT_F = NCH_F * CH
EPT_S = NCH_S * CH
N_PAD = 10240
ROWS_PER_TILE = N_PAD // NS


def _sc_agg_body(x_hbm, src_hbm, dst_hbm, w_hbm, out_hbm,
                 src_v, dst_v, w_v, gb, sb, agg_sh, sg, ss):
    c = lax.axis_index("c")
    s = lax.axis_index("s")

    nchunk = jnp.where(c == 0, NCH_F, NCH_S)
    base = pl.multiple_of(jnp.where(c == 0, s * EPT_F, NS * EPT_F + s * EPT_S), 32)

    @pl.when(c == 0)
    def _():
        pltpu.sync_copy(src_hbm.at[pl.ds(base, EPT_F)], src_v)
        pltpu.sync_copy(dst_hbm.at[pl.ds(base, EPT_F)], dst_v)
        pltpu.sync_copy(w_hbm.at[pl.ds(base, EPT_F)], w_v)

    @pl.when(c != 0)
    def _():
        pltpu.sync_copy(src_hbm.at[pl.ds(base, EPT_S)], src_v.at[pl.ds(0, EPT_S)])
        pltpu.sync_copy(dst_hbm.at[pl.ds(base, EPT_S)], dst_v.at[pl.ds(0, EPT_S)])
        pltpu.sync_copy(w_hbm.at[pl.ds(base, EPT_S)], w_v.at[pl.ds(0, EPT_S)])

    def zrow(r, _):
        for j in range(8):
            sb[r, pl.ds(j * 16, 16)] = jnp.zeros((16,), jnp.float32)
        return 0
    lax.fori_loop(0, CH, zrow, 0)
    for k in range(ROWS_PER_TILE // CH):
        pltpu.sync_copy(sb, agg_sh.at[pl.ds(s * ROWS_PER_TILE + k * CH, CH)])
    plsc.subcore_barrier()

    def gather_start(ci, g):
        pltpu.async_copy(x_hbm.at[src_v.at[pl.ds(ci * CH, CH)]], gb[g], sg[g])

    def phase(ci, b):
        @pl.when(ci + 1 < nchunk)
        def _():
            gather_start(ci + 1, 1 - b)

        pltpu.make_async_copy(
            x_hbm.at[src_v.at[pl.ds(ci * CH, CH)]], gb[b], sg[b]).wait()

        @pl.when(ci >= 1)
        def _():
            pltpu.make_async_copy(
                sb, agg_sh.at[dst_v.at[pl.ds((ci - 1) * CH, CH)]], ss).wait()

        def row(r, _):
            wv = plsc.load_gather(w_v, [jnp.full((16,), ci * CH + r, jnp.int32)])
            for j in range(8):
                sb[r, pl.ds(j * 16, 16)] = gb[b][r, pl.ds(j * 16, 16)] * wv
            return 0
        lax.fori_loop(0, CH, row, 0)

        pltpu.async_copy(sb, agg_sh.at[dst_v.at[pl.ds(ci * CH, CH)]],
                         ss, add=True)

    gather_start(0, 0)

    def pair(p, _):
        phase(2 * p, 0)
        phase(2 * p + 1, 1)
        return 0
    lax.fori_loop(0, nchunk // 2, pair, 0)

    @pl.when(nchunk % 2 == 1)
    def _():
        phase(nchunk - 1, 0)

    pltpu.make_async_copy(
        sb, agg_sh.at[dst_v.at[pl.ds((nchunk - 1) * CH, CH)]], ss).wait()

    plsc.subcore_barrier()
    pltpu.sync_copy(agg_sh.at[pl.ds(s * ROWS_PER_TILE, ROWS_PER_TILE)],
                    out_hbm.at[c, pl.ds(s * ROWS_PER_TILE, ROWS_PER_TILE)])


_sc_agg = pl.kernel(
    _sc_agg_body,
    out_type=jax.ShapeDtypeStruct((NC, N_PAD, D), jnp.float32),
    mesh=plsc.VectorSubcoreMesh(core_axis_name="c", subcore_axis_name="s"),
    compiler_params=pltpu.CompilerParams(needs_layout_passes=False),
    scratch_types=[
        pltpu.VMEM((EPT_F,), jnp.int32),
        pltpu.VMEM((EPT_F,), jnp.int32),
        pltpu.VMEM((EPT_F,), jnp.float32),
        [pltpu.VMEM((CH, D), jnp.float32) for _ in range(2)],
        pltpu.VMEM((CH, D), jnp.float32),
        pltpu.VMEM_SHARED((N_PAD, D), jnp.float32),
        [pltpu.SemaphoreType.DMA for _ in range(2)],
        pltpu.SemaphoreType.DMA,
    ],
)


BM = 1000


def _dense1_body(a_ref, w1t_ref, b_ref, o_ref):
    agg = a_ref[0] + a_ref[1]
    h1 = jnp.dot(agg, w1t_ref[...], preferred_element_type=jnp.float32)
    o_ref[...] = jnp.maximum(h1 + b_ref[...], 0.0)


def _dense2_body(x_ref, w2t_ref, b_ref, o_ref):
    h2 = jnp.dot(x_ref[...], w2t_ref[...], preferred_element_type=jnp.float32)
    o_ref[...] = jnp.maximum(h2 + b_ref[...], 0.0)


def _dense1(agg_p, w1t, b1):
    return pl.pallas_call(
        _dense1_body,
        out_shape=jax.ShapeDtypeStruct((N_NODES, D), jnp.float32),
        grid=(N_NODES // BM,),
        in_specs=[
            pl.BlockSpec((NC, BM, D), lambda i: (0, i, 0)),
            pl.BlockSpec((D, D), lambda i: (0, 0)),
            pl.BlockSpec((1, D), lambda i: (0, 0)),
        ],
        out_specs=pl.BlockSpec((BM, D), lambda i: (i, 0)),
    )(agg_p, w1t, b1)


def _dense2(x, w2t, b2):
    return pl.pallas_call(
        _dense2_body,
        out_shape=jax.ShapeDtypeStruct((N_NODES, D), jnp.float32),
        grid=(N_NODES // BM,),
        in_specs=[
            pl.BlockSpec((BM, D), lambda i: (i, 0)),
            pl.BlockSpec((D, D), lambda i: (0, 0)),
            pl.BlockSpec((1, D), lambda i: (0, 0)),
        ],
        out_specs=pl.BlockSpec((BM, D), lambda i: (i, 0)),
    )(x, w2t, b2)


@jax.jit
def kernel(x, edge_index, edge_weight, W1, b1, W2, b2):
    src = edge_index[0]
    dst = edge_index[1]

    agg_p = _sc_agg(x, src, dst, edge_weight)

    r1 = _dense1(agg_p, W1.T, b1.reshape(1, D))
    r2 = _dense2(x, W2.T, b2.reshape(1, D))
    return jnp.concatenate([r1, r2], axis=1)

# --- scband reference (transcript-rebuilt; emitter-appended) ---
"""Pipeline reference for scband-torch-sage-23630910062646 (READ-ONLY COPY).

The authoritative reference and input builder live on the scoring server;
editing this copy changes nothing except your own understanding.
"""

import jax, jax.numpy as jnp
import numpy as np

N_NODES = 10000
N_EDGES = 320000
D_IN = 128
D_OUT = 128


def setup_inputs(seed: int = 0) -> dict:
    key = jax.random.key(seed)
    k1, k2, k3, k4, k5 = jax.random.split(key, 5)
    x = jax.random.normal(k1, (N_NODES, D_IN), dtype=jnp.float32)
    edge_index = jax.random.randint(k2, (2, N_EDGES), 0, N_NODES, dtype=jnp.int32)
    edge_weight = jax.random.uniform(k3, (N_EDGES,), dtype=jnp.float32)
    # xavier-uniform init for the two linear layers (weight shape [out, in], torch convention)
    a = float(np.sqrt(6.0 / (D_IN + D_OUT)))
    W1 = jax.random.uniform(k4, (D_OUT, D_IN), minval=-a, maxval=a, dtype=jnp.float32)
    b1 = jnp.zeros((D_OUT,), dtype=jnp.float32)
    W2 = jax.random.uniform(k5, (D_OUT, D_IN), minval=-a, maxval=a, dtype=jnp.float32)
    b2 = jnp.zeros((D_OUT,), dtype=jnp.float32)
    return {"x": x, "edge_index": edge_index, "edge_weight": edge_weight,
            "W1": W1, "b1": b1, "W2": W2, "b2": b2}


def reference(x, edge_index, edge_weight, W1, b1, W2, b2):
    # torch.sparse.mm(edge_norm, x): row i (dst) accumulates sum_j A[i, j] * x[j]
    src = edge_index[0]
    dst = edge_index[1]
    msgs = edge_weight[:, None] * jnp.take(x, src, axis=0)
    agg = jax.ops.segment_sum(msgs, dst, num_segments=x.shape[0])
    h1 = agg @ W1.T + b1       # self.l(aggregated)
    h2 = x @ W2.T + b2         # self.l2(feat)
    out = jnp.concatenate([h1, h2], axis=1)
    # activation == 'relu'
    return jax.nn.relu(out)

if __name__ == "__main__":
    import jax
    _d = setup_inputs()
    print(jax.jit(kernel)(*tuple(_d.values())))

</pallas_src>

<mosaic_0001>
#map = affine_map<(d0, d1) -> (0, 0)>
#map1 = affine_map<(d0, d1) -> (0)>
#map2 = affine_map<(d0, d1) -> (0, 0, 0)>
module attributes {stable_mosaic.version = 14 : i64} {
  func.func @_sc_agg_body(%arg0: i32, %arg1: i32, %arg2: memref<10000x128xf32, #tpu.memory_space<hbm>>, %arg3: memref<320000xi32, #tpu.memory_space<hbm>>, %arg4: memref<320000xi32, #tpu.memory_space<hbm>>, %arg5: memref<320000xf32, #tpu.memory_space<hbm>>, %arg6: memref<2x10240x128xf32, #tpu.memory_space<hbm>>, %arg7: memref<10048xi32, #tpu.memory_space<vmem>>, %arg8: memref<10048xi32, #tpu.memory_space<vmem>>, %arg9: memref<10048xf32, #tpu.memory_space<vmem>>, %arg10: memref<32x128xf32, #tpu.memory_space<vmem>>, %arg11: memref<32x128xf32, #tpu.memory_space<vmem>>, %arg12: memref<32x128xf32, #tpu.memory_space<vmem>>, %arg13: memref<10240x128xf32, #tpu.memory_space<vmem_shared>>, %arg14: memref<!tpu.dma_semaphore, #tpu.memory_space<semaphore_mem>>, %arg15: memref<!tpu.dma_semaphore, #tpu.memory_space<semaphore_mem>>, %arg16: memref<!tpu.dma_semaphore, #tpu.memory_space<semaphore_mem>>) attributes {dimension_semantics = [#tpu.dimension_semantics<core_parallel>, #tpu.dimension_semantics<subcore_parallel>], iteration_bounds = array<i64: 2, 16>, scalar_prefetch = 0 : i64, scratch_operands = 10 : i64, tpu.core_type = #tpu.core_type<sc_vector_subcore>, window_params = [{transform_indices = #map}, {transform_indices = #map1}, {transform_indices = #map1}, {transform_indices = #map1}, {transform_indices = #map2}]} {
    %eq3A = arith.constant 0 : i32
    %eq3A_0 = arith.cmpi eq, %arg0, %eq3A : i32
    %jit3A = arith.constant 314 : i32
    %jit3A_1 = arith.constant 311 : i32
    %select_n3A = arith.select %eq3A_0, %jit3A, %jit3A_1 : i32
    %eq3A_2 = arith.constant 0 : i32
    %eq3A_3 = arith.cmpi eq, %arg0, %eq3A_2 : i32
    %mul3A = arith.constant 10048 : i32
    %mul3A_4 = arith.muli %arg1, %mul3A : i32
    %mul3A_5 = arith.constant 9952 : i32
    %mul3A_6 = arith.muli %arg1, %mul3A_5 : i32
    %add3A = arith.constant 160768 : i32
    %add3A_7 = arith.addi %add3A, %mul3A_6 : i32
    %select_n3A_8 = arith.select %eq3A_3, %mul3A_4, %add3A_7 : i32
    %multiple_of3A = tpu.assume_multiple %select_n3A_8, 32 : i32
    %eq3A_9 = arith.constant 0 : i32
    %eq3A_10 = arith.cmpi eq, %arg0, %eq3A_9 : i32
    %convert_element_type3A = arith.extui %eq3A_10 : i1 to i32
    %cond3A = arith.constant 0 : i32
    %cond3A_11 = arith.cmpi ne, %convert_element_type3A, %cond3A : i32
    scf.if %cond3A_11 {
      "tpu.region"() ({
        %run_scoped3A = tpu.sem_alloc : memref<!tpu.dma_semaphore, #tpu.memory_space<semaphore_mem>>
        %dma_start3A_168 = tpu.memref_slice %arg3[%multiple_of3A] : memref<320000xi32, #tpu.memory_space<hbm>> -> memref<10048xi32, #tpu.memory_space<hbm>>
        %dma_start3A_169 = tpu.memref_slice %arg3[%multiple_of3A] : memref<320000xi32, #tpu.memory_space<hbm>> -> memref<10048xi32, #tpu.memory_space<hbm>>
        tpu.enqueue_dma source(%dma_start3A_169 : memref<10048xi32, #tpu.memory_space<hbm>>) target(%arg7 : memref<10048xi32, #tpu.memory_space<vmem>>) target_semaphore(%run_scoped3A : memref<!tpu.dma_semaphore, #tpu.memory_space<semaphore_mem>>)
        %dma_wait3A_170 = tpu.memref_slice %arg3[%multiple_of3A] : memref<320000xi32, #tpu.memory_space<hbm>> -> memref<10048xi32, #tpu.memory_space<hbm>>
        %dma_wait3A_171 = tpu.memref_slice %arg3[%multiple_of3A] : memref<320000xi32, #tpu.memory_space<hbm>> -> memref<10048xi32, #tpu.memory_space<hbm>>
        tpu.wait_dma2 semaphore(%run_scoped3A : memref<!tpu.dma_semaphore, #tpu.memory_space<semaphore_mem>>) src(%dma_wait3A_171 : memref<10048xi32, #tpu.memory_space<hbm>>) dst(%arg7 : memref<10048xi32, #tpu.memory_space<vmem>>)
        tpu.yield
      }) : () -> ()
      "tpu.region"() ({
        %run_scoped3A = tpu.sem_alloc : memref<!tpu.dma_semaphore, #tpu.memory_space<semaphore_mem>>
        %dma_start3A_168 = tpu.memref_slice %arg4[%multiple_of3A] : memref<320000xi32, #tpu.memory_space<hbm>> -> memref<10048xi32, #tpu.memory_space<hbm>>
        %dma_start3A_169 = tpu.memref_slice %arg4[%multiple_of3A] : memref<320000xi32, #tpu.memory_space<hbm>> -> memref<10048xi32, #tpu.memory_space<hbm>>
        tpu.enqueue_dma source(%dma_start3A_169 : memref<10048xi32, #tpu.memory_space<hbm>>) target(%arg8 : memref<10048xi32, #tpu.memory_space<vmem>>) target_semaphore(%run_scoped3A : memref<!tpu.dma_semaphore, #tpu.memory_space<semaphore_mem>>)
        %dma_wait3A_170 = tpu.memref_slice %arg4[%multiple_of3A] : memref<320000xi32, #tpu.memory_space<hbm>> -> memref<10048xi32, #tpu.memory_space<hbm>>
        %dma_wait3A_171 = tpu.memref_slice %arg4[%multiple_of3A] : memref<320000xi32, #tpu.memory_space<hbm>> -> memref<10048xi32, #tpu.memory_space<hbm>>
        tpu.wait_dma2 semaphore(%run_scoped3A : memref<!tpu.dma_semaphore, #tpu.memory_space<semaphore_mem>>) src(%dma_wait3A_171 : memref<10048xi32, #tpu.memory_space<hbm>>) dst(%arg8 : memref<10048xi32, #tpu.memory_space<vmem>>)
        tpu.yield
      }) : () -> ()
      "tpu.region"() ({
        %run_scoped3A = tpu.sem_alloc : memref<!tpu.dma_semaphore, #tpu.memory_space<semaphore_mem>>
        %dma_start3A_168 = tpu.memref_slice %arg5[%multiple_of3A] : memref<320000xf32, #tpu.memory_space<hbm>> -> memref<10048xf32, #tpu.memory_space<hbm>>
        %dma_start3A_169 = tpu.memref_slice %arg5[%multiple_of3A] : memref<320000xf32, #tpu.memory_space<hbm>> -> memref<10048xf32, #tpu.memory_space<hbm>>
        tpu.enqueue_dma source(%dma_start3A_169 : memref<10048xf32, #tpu.memory_space<hbm>>) target(%arg9 : memref<10048xf32, #tpu.memory_space<vmem>>) target_semaphore(%run_scoped3A : memref<!tpu.dma_semaphore, #tpu.memory_space<semaphore_mem>>)
        %dma_wait3A_170 = tpu.memref_slice %arg5[%multiple_of3A] : memref<320000xf32, #tpu.memory_space<hbm>> -> memref<10048xf32, #tpu.memory_space<hbm>>
        %dma_wait3A_171 = tpu.memref_slice %arg5[%multiple_of3A] : memref<320000xf32, #tpu.memory_space<hbm>> -> memref<10048xf32, #tpu.memory_space<hbm>>
        tpu.wait_dma2 semaphore(%run_scoped3A : memref<!tpu.dma_semaphore, #tpu.memory_space<semaphore_mem>>) src(%dma_wait3A_171 : memref<10048xf32, #tpu.memory_space<hbm>>) dst(%arg9 : memref<10048xf32, #tpu.memory_space<vmem>>)
        tpu.yield
      }) : () -> ()
    } else {
    }
    %ne3A = arith.constant 0 : i32
    %ne3A_12 = arith.cmpi ne, %arg0, %ne3A : i32
    %convert_element_type3A_13 = arith.extui %ne3A_12 : i1 to i32
    %cond3A_14 = arith.constant 0 : i32
    %cond3A_15 = arith.cmpi ne, %convert_element_type3A_13, %cond3A_14 : i32
    scf.if %cond3A_15 {
      "tpu.region"() ({
        %run_scoped3A = tpu.sem_alloc : memref<!tpu.dma_semaphore, #tpu.memory_space<semaphore_mem>>
        %dma_start3A_168 = arith.constant 0 : i32
        %dma_start3A_169 = tpu.memref_slice %arg7[%dma_start3A_168] : memref<10048xi32, #tpu.memory_space<vmem>> -> memref<9952xi32, #tpu.memory_space<vmem>>
        %dma_start3A_170 = tpu.memref_slice %arg3[%multiple_of3A] : memref<320000xi32, #tpu.memory_space<hbm>> -> memref<9952xi32, #tpu.memory_space<hbm>>
        %dma_start3A_171 = arith.constant 0 : i32
        %dma_start3A_172 = tpu.memref_slice %arg7[%dma_start3A_171] : memref<10048xi32, #tpu.memory_space<vmem>> -> memref<9952xi32, #tpu.memory_space<vmem>>
        %dma_start3A_173 = tpu.memref_slice %arg3[%multiple_of3A] : memref<320000xi32, #tpu.memory_space<hbm>> -> memref<9952xi32, #tpu.memory_space<hbm>>
        tpu.enqueue_dma source(%dma_start3A_173 : memref<9952xi32, #tpu.memory_space<hbm>>) target(%dma_start3A_172 : memref<9952xi32, #tpu.memory_space<vmem>>) target_semaphore(%run_scoped3A : memref<!tpu.dma_semaphore, #tpu.memory_space<semaphore_mem>>)
        %dma_wait3A_174 = arith.constant 0 : i32
        %dma_wait3A_175 = tpu.memref_slice %arg7[%dma_wait3A_174] : memref<10048xi32, #tpu.memory_space<vmem>> -> memref<9952xi32, #tpu.memory_space<vmem>>
        %dma_wait3A_176 = tpu.memref_slice %arg3[%multiple_of3A] : memref<320000xi32, #tpu.memory_space<hbm>> -> memref<9952xi32, #tpu.memory_space<hbm>>
        %dma_wait3A_177 = arith.constant 0 : i32
        %dma_wait3A_178 = tpu.memref_slice %arg7[%dma_wait3A_177] : memref<10048xi32, #tpu.memory_space<vmem>> -> memref<9952xi32, #tpu.memory_space<vmem>>
        %dma_wait3A_179 = tpu.memref_slice %arg3[%multiple_of3A] : memref<320000xi32, #tpu.memory_space<hbm>> -> memref<9952xi32, #tpu.memory_space<hbm>>
        tpu.wait_dma2 semaphore(%run_scoped3A : memref<!tpu.dma_semaphore, #tpu.memory_space<semaphore_mem>>) src(%dma_wait3A_179 : memref<9952xi32, #tpu.memory_space<hbm>>) dst(%dma_wait3A_178 : memref<9952xi32, #tpu.memory_space<vmem>>)
        tpu.yield
      }) : () -> ()
      "tpu.region"() ({
        %run_scoped3A = tpu.sem_alloc : memref<!tpu.dma_semaphore, #tpu.memory_space<semaphore_mem>>
        %dma_start3A_168 = arith.constant 0 : i32
        %dma_start3A_169 = tpu.memref_slice %arg8[%dma_start3A_168] : memref<10048xi32, #tpu.memory_space<vmem>> -> memref<9952xi32, #tpu.memory_space<vmem>>
        %dma_start3A_170 = tpu.memref_slice %arg4[%multiple_of3A] : memref<320000xi32, #tpu.memory_space<hbm>> -> memref<9952xi32, #tpu.memory_space<hbm>>
        %dma_start3A_171 = arith.constant 0 : i32
        %dma_start3A_172 = tpu.memref_slice %arg8[%dma_start3A_171] : memref<10048xi32, #tpu.memory_space<vmem>> -> memref<9952xi32, #tpu.memory_space<vmem>>
        %dma_start3A_173 = tpu.memref_slice %arg4[%multiple_of3A] : memref<320000xi32, #tpu.memory_space<hbm>> -> memref<9952xi32, #tpu.memory_space<hbm>>
        tpu.enqueue_dma source(%dma_start3A_173 : memref<9952xi32, #tpu.memory_space<hbm>>) target(%dma_start3A_172 : memref<9952xi32, #tpu.memory_space<vmem>>) target_semaphore(%run_scoped3A : memref<!tpu.dma_semaphore, #tpu.memory_space<semaphore_mem>>)
        %dma_wait3A_174 = arith.constant 0 : i32
        %dma_wait3A_175 = tpu.memref_slice %arg8[%dma_wait3A_174] : memref<10048xi32, #tpu.memory_space<vmem>> -> memref<9952xi32, #tpu.memory_space<vmem>>
        %dma_wait3A_176 = tpu.memref_slice %arg4[%multiple_of3A] : memref<320000xi32, #tpu.memory_space<hbm>> -> memref<9952xi32, #tpu.memory_space<hbm>>
        %dma_wait3A_177 = arith.constant 0 : i32
        %dma_wait3A_178 = tpu.memref_slice %arg8[%dma_wait3A_177] : memref<10048xi32, #tpu.memory_space<vmem>> -> memref<9952xi32, #tpu.memory_space<vmem>>
        %dma_wait3A_179 = tpu.memref_slice %arg4[%multiple_of3A] : memref<320000xi32, #tpu.memory_space<hbm>> -> memref<9952xi32, #tpu.memory_space<hbm>>
        tpu.wait_dma2 semaphore(%run_scoped3A : memref<!tpu.dma_semaphore, #tpu.memory_space<semaphore_mem>>) src(%dma_wait3A_179 : memref<9952xi32, #tpu.memory_space<hbm>>) dst(%dma_wait3A_178 : memref<9952xi32, #tpu.memory_space<vmem>>)
        tpu.yield
      }) : () -> ()
      "tpu.region"() ({
        %run_scoped3A = tpu.sem_alloc : memref<!tpu.dma_semaphore, #tpu.memory_space<semaphore_mem>>
        %dma_start3A_168 = arith.constant 0 : i32
        %dma_start3A_169 = tpu.memref_slice %arg9[%dma_start3A_168] : memref<10048xf32, #tpu.memory_space<vmem>> -> memref<9952xf32, #tpu.memory_space<vmem>>
        %dma_start3A_170 = tpu.memref_slice %arg5[%multiple_of3A] : memref<320000xf32, #tpu.memory_space<hbm>> -> memref<9952xf32, #tpu.memory_space<hbm>>
        %dma_start3A_171 = arith.constant 0 : i32
        %dma_start3A_172 = tpu.memref_slice %arg9[%dma_start3A_171] : memref<10048xf32, #tpu.memory_space<vmem>> -> memref<9952xf32, #tpu.memory_space<vmem>>
        %dma_start3A_173 = tpu.memref_slice %arg5[%multiple_of3A] : memref<320000xf32, #tpu.memory_space<hbm>> -> memref<9952xf32, #tpu.memory_space<hbm>>
        tpu.enqueue_dma source(%dma_start3A_173 : memref<9952xf32, #tpu.memory_space<hbm>>) target(%dma_start3A_172 : memref<9952xf32, #tpu.memory_space<vmem>>) target_semaphore(%run_scoped3A : memref<!tpu.dma_semaphore, #tpu.memory_space<semaphore_mem>>)
        %dma_wait3A_174 = arith.constant 0 : i32
        %dma_wait3A_175 = tpu.memref_slice %arg9[%dma_wait3A_174] : memref<10048xf32, #tpu.memory_space<vmem>> -> memref<9952xf32, #tpu.memory_space<vmem>>
        %dma_wait3A_176 = tpu.memref_slice %arg5[%multiple_of3A] : memref<320000xf32, #tpu.memory_space<hbm>> -> memref<9952xf32, #tpu.memory_space<hbm>>
        %dma_wait3A_177 = arith.constant 0 : i32
        %dma_wait3A_178 = tpu.memref_slice %arg9[%dma_wait3A_177] : memref<10048xf32, #tpu.memory_space<vmem>> -> memref<9952xf32, #tpu.memory_space<vmem>>
        %dma_wait3A_179 = tpu.memref_slice %arg5[%multiple_of3A] : memref<320000xf32, #tpu.memory_space<hbm>> -> memref<9952xf32, #tpu.memory_space<hbm>>
        tpu.wait_dma2 semaphore(%run_scoped3A : memref<!tpu.dma_semaphore, #tpu.memory_space<semaphore_mem>>) src(%dma_wait3A_179 : memref<9952xf32, #tpu.memory_space<hbm>>) dst(%dma_wait3A_178 : memref<9952xf32, #tpu.memory_space<vmem>>)
        tpu.yield
      }) : () -> ()
    } else {
    }
    %scan3A = arith.constant 0 : i32
    %scan3A_16 = arith.constant 0 : i32
    %scan3A_17 = arith.constant 32 : i32
    %scan3A_18 = arith.addi %scan3A_16, %scan3A_17 : i32
    %scan3A_19 = arith.constant 1 : i32
    %scan3A_20 = scf.for %scan3A_168 = %scan3A_16 to %scan3A_18 step %scan3A_19 iter_args(%scan3A_169 = %scan3A) -> (i32)  : i32 {
      %broadcast_in_dim3A = arith.constant 0.000000e+00 : f32
      %broadcast_in_dim3A_170 = vector.broadcast %broadcast_in_dim3A : f32 to vector<16xf32>
      %swap3A = arith.index_cast %scan3A_168 : i32 to index
      %swap3A_171 = arith.constant 0 : index
      %swap3A_172 = tpu.vector_load %arg12[%swap3A, %swap3A_171] {strides = array<i32>} : memref<32x128xf32, #tpu.memory_space<vmem>>, vector<16xf32>,
      tpu.vector_store %arg12[%swap3A, %swap3A_171], %broadcast_in_dim3A_170 {strides = array<i32>} : memref<32x128xf32, #tpu.memory_space<vmem>>, vector<16xf32>,
      %broadcast_in_dim3A_173 = arith.constant 0.000000e+00 : f32
      %broadcast_in_dim3A_174 = vector.broadcast %broadcast_in_dim3A_173 : f32 to vector<16xf32>
      %swap3A_175 = arith.index_cast %scan3A_168 : i32 to index
      %swap3A_176 = arith.constant 16 : index
      %swap3A_177 = tpu.vector_load %arg12[%swap3A_175, %swap3A_176] {strides = array<i32>} : memref<32x128xf32, #tpu.memory_space<vmem>>, vector<16xf32>,
      tpu.vector_store %arg12[%swap3A_175, %swap3A_176], %broadcast_in_dim3A_174 {strides = array<i32>} : memref<32x128xf32, #tpu.memory_space<vmem>>, vector<16xf32>,
      %broadcast_in_dim3A_178 = arith.constant 0.000000e+00 : f32
      %broadcast_in_dim3A_179 = vector.broadcast %broadcast_in_dim3A_178 : f32 to vector<16xf32>
      %swap3A_180 = arith.index_cast %scan3A_168 : i32 to index
      %swap3A_181 = arith.constant 32 : index
      %swap3A_182 = tpu.vector_load %arg12[%swap3A_180, %swap3A_181] {strides = array<i32>} : memref<32x128xf32, #tpu.memory_space<vmem>>, vector<16xf32>,
      tpu.vector_store %arg12[%swap3A_180, %swap3A_181], %broadcast_in_dim3A_179 {strides = array<i32>} : memref<32x128xf32, #tpu.memory_space<vmem>>, vector<16xf32>,
      %broadcast_in_dim3A_183 = arith.constant 0.000000e+00 : f32
      %broadcast_in_dim3A_184 = vector.broadcast %broadcast_in_dim3A_183 : f32 to vector<16xf32>
      %swap3A_185 = arith.index_cast %scan3A_168 : i32 to index
      %swap3A_186 = arith.constant 48 : index
      %swap3A_187 = tpu.vector_load %arg12[%swap3A_185, %swap3A_186] {strides = array<i32>} : memref<32x128xf32, #tpu.memory_space<vmem>>, vector<16xf32>,
      tpu.vector_store %arg12[%swap3A_185, %swap3A_186], %broadcast_in_dim3A_184 {strides = array<i32>} : memref<32x128xf32, #tpu.memory_space<vmem>>, vector<16xf32>,
      %broadcast_in_dim3A_188 = arith.constant 0.000000e+00 : f32
      %broadcast_in_dim3A_189 = vector.broadcast %broadcast_in_dim3A_188 : f32 to vector<16xf32>
      %swap3A_190 = arith.index_cast %scan3A_168 : i32 to index
      %swap3A_191 = arith.constant 64 : index
      %swap3A_192 = tpu.vector_load %arg12[%swap3A_190, %swap3A_191] {strides = array<i32>} : memref<32x128xf32, #tpu.memory_space<vmem>>, vector<16xf32>,
      tpu.vector_store %arg12[%swap3A_190, %swap3A_191], %broadcast_in_dim3A_189 {strides = array<i32>} : memref<32x128xf32, #tpu.memory_space<vmem>>, vector<16xf32>,
      %broadcast_in_dim3A_193 = arith.constant 0.000000e+00 : f32
      %broadcast_in_dim3A_194 = vector.broadcast %broadcast_in_dim3A_193 : f32 to vector<16xf32>
      %swap3A_195 = arith.index_cast %scan3A_168 : i32 to index
      %swap3A_196 = arith.constant 80 : index
      %swap3A_197 = tpu.vector_load %arg12[%swap3A_195, %swap3A_196] {strides = array<i32>} : memref<32x128xf32, #tpu.memory_space<vmem>>, vector<16xf32>,
      tpu.vector_store %arg12[%swap3A_195, %swap3A_196], %broadcast_in_dim3A_194 {strides = array<i32>} : memref<32x128xf32, #tpu.memory_space<vmem>>, vector<16xf32>,
      %broadcast_in_dim3A_198 = arith.constant 0.000000e+00 : f32
      %broadcast_in_dim3A_199 = vector.broadcast %broadcast_in_dim3A_198 : f32 to vector<16xf32>
      %swap3A_200 = arith.index_cast %scan3A_168 : i32 to index
      %swap3A_201 = arith.constant 96 : index
      %swap3A_202 = tpu.vector_load %arg12[%swap3A_200, %swap3A_201] {strides = array<i32>} : memref<32x128xf32, #tpu.memory_space<vmem>>, vector<16xf32>,
      tpu.vector_store %arg12[%swap3A_200, %swap3A_201], %broadcast_in_dim3A_199 {strides = array<i32>} : memref<32x128xf32, #tpu.memory_space<vmem>>, vector<16xf32>,
      %broadcast_in_dim3A_203 = arith.constant 0.000000e+00 : f32
      %broadcast_in_dim3A_204 = vector.broadcast %broadcast_in_dim3A_203 : f32 to vector<16xf32>
      %swap3A_205 = arith.index_cast %scan3A_168 : i32 to index
      %swap3A_206 = arith.constant 112 : index
      %swap3A_207 = tpu.vector_load %arg12[%swap3A_205, %swap3A_206] {strides = array<i32>} : memref<32x128xf32, #tpu.memory_space<vmem>>, vector<16xf32>,
      tpu.vector_store %arg12[%swap3A_205, %swap3A_206], %broadcast_in_dim3A_204 {strides = array<i32>} : memref<32x128xf32, #tpu.memory_space<vmem>>, vector<16xf32>,
      %scan3A_208 = arith.constant 0 : i32
      scf.yield %scan3A_208 : i32
    }
    %scan3A_21 = arith.constant 32 : i32
    %mul3A_22 = arith.constant 640 : i32
    %mul3A_23 = arith.muli %arg1, %mul3A_22 : i32
    %add3A_24 = arith.constant 0 : i32
    %add3A_25 = arith.addi %mul3A_23, %add3A_24 : i32
    "tpu.region"() ({
      %run_scoped3A = tpu.sem_alloc : memref<!tpu.dma_semaphore, #tpu.memory_space<semaphore_mem>>
      %dma_start3A_168 = arith.constant 0 : i32
      %dma_start3A_169 = tpu.memref_slice %arg13[%add3A_25, %dma_start3A_168] : memref<10240x128xf32, #tpu.memory_space<vmem_shared>> -> memref<32x128xf32, #tpu.memory_space<vmem_shared>>
      %dma_start3A_170 = arith.constant 0 : i32
      %dma_start3A_171 = tpu.memref_slice %arg13[%add3A_25, %dma_start3A_170] : memref<10240x128xf32, #tpu.memory_space<vmem_shared>> -> memref<32x128xf32, #tpu.memory_space<vmem_shared>>
      tpu.enqueue_dma source(%arg12 : memref<32x128xf32, #tpu.memory_space<vmem>>) target(%dma_start3A_171 : memref<32x128xf32, #tpu.memory_space<vmem_shared>>) target_semaphore(%run_scoped3A : memref<!tpu.dma_semaphore, #tpu.memory_space<semaphore_mem>>)
      %dma_wait3A_172 = arith.constant 0 : i32
      %dma_wait3A_173 = tpu.memref_slice %arg13[%add3A_25, %dma_wait3A_172] : memref<10240x128xf32, #tpu.memory_space<vmem_shared>> -> memref<32x128xf32, #tpu.memory_space<vmem_shared>>
      %dma_wait3A_174 = arith.constant 0 : i32
      %dma_wait3A_175 = tpu.memref_slice %arg13[%add3A_25, %dma_wait3A_174] : memref<10240x128xf32, #tpu.memory_space<vmem_shared>> -> memref<32x128xf32, #tpu.memory_space<vmem_shared>>
      tpu.wait_dma2 semaphore(%run_scoped3A : memref<!tpu.dma_semaphore, #tpu.memory_space<semaphore_mem>>) src(%arg12 : memref<32x128xf32, #tpu.memory_space<vmem>>) dst(%dma_wait3A_175 : memref<32x128xf32, #tpu.memory_space<vmem_shared>>)
      tpu.yield
    }) : () -> ()
    %mul3A_26 = arith.constant 640 : i32
    %mul3A_27 = arith.muli %arg1, %mul3A_26 : i32
    %add3A_28 = arith.constant 32 : i32
    %add3A_29 = arith.addi %mul3A_27, %add3A_28 : i32
    "tpu.region"() ({
      %run_scoped3A = tpu.sem_alloc : memref<!tpu.dma_semaphore, #tpu.memory_space<semaphore_mem>>
      %dma_start3A_168 = arith.constant 0 : i32
      %dma_start3A_169 = tpu.memref_slice %arg13[%add3A_29, %dma_start3A_168] : memref<10240x128xf32, #tpu.memory_space<vmem_shared>> -> memref<32x128xf32, #tpu.memory_space<vmem_shared>>
      %dma_start3A_170 = arith.constant 0 : i32
      %dma_start3A_171 = tpu.memref_slice %arg13[%add3A_29, %dma_start3A_170] : memref<10240x128xf32, #tpu.memory_space<vmem_shared>> -> memref<32x128xf32, #tpu.memory_space<vmem_shared>>
      tpu.enqueue_dma source(%arg12 : memref<32x128xf32, #tpu.memory_space<vmem>>) target(%dma_start3A_171 : memref<32x128xf32, #tpu.memory_space<vmem_shared>>) target_semaphore(%run_scoped3A : memref<!tpu.dma_semaphore, #tpu.memory_space<semaphore_mem>>)
      %dma_wait3A_172 = arith.constant 0 : i32
      %dma_wait3A_173 = tpu.memref_slice %arg13[%add3A_29, %dma_wait3A_172] : memref<10240x128xf32, #tpu.memory_space<vmem_shared>> -> memref<32x128xf32, #tpu.memory_space<vmem_shared>>
      %dma_wait3A_174 = arith.constant 0 : i32
      %dma_wait3A_175 = tpu.memref_slice %arg13[%add3A_29, %dma_wait3A_174] : memref<10240x128xf32, #tpu.memory_space<vmem_shared>> -> memref<32x128xf32, #tpu.memory_space<vmem_shared>>
      tpu.wait_dma2 semaphore(%run_scoped3A : memref<!tpu.dma_semaphore, #tpu.memory_space<semaphore_mem>>) src(%arg12 : memref<32x128xf32, #tpu.memory_space<vmem>>) dst(%dma_wait3A_175 : memref<32x128xf32, #tpu.memory_space<vmem_shared>>)
      tpu.yield
    }) : () -> ()
    %mul3A_30 = arith.constant 640 : i32
    %mul3A_31 = arith.muli %arg1, %mul3A_30 : i32
    %add3A_32 = arith.constant 64 : i32
    %add3A_33 = arith.addi %mul3A_31, %add3A_32 : i32
    "tpu.region"() ({
      %run_scoped3A = tpu.sem_alloc : memref<!tpu.dma_semaphore, #tpu.memory_space<semaphore_mem>>
      %dma_start3A_168 = arith.constant 0 : i32
      %dma_start3A_169 = tpu.memref_slice %arg13[%add3A_33, %dma_start3A_168] : memref<10240x128xf32, #tpu.memory_space<vmem_shared>> -> memref<32x128xf32, #tpu.memory_space<vmem_shared>>
      %dma_start3A_170 = arith.constant 0 : i32
      %dma_start3A_171 = tpu.memref_slice %arg13[%add3A_33, %dma_start3A_170] : memref<10240x128xf32, #tpu.memory_space<vmem_shared>> -> memref<32x128xf32, #tpu.memory_space<vmem_shared>>
      tpu.enqueue_dma source(%arg12 : memref<32x128xf32, #tpu.memory_space<vmem>>) target(%dma_start3A_171 : memref<32x128xf32, #tpu.memory_space<vmem_shared>>) target_semaphore(%run_scoped3A : memref<!tpu.dma_semaphore, #tpu.memory_space<semaphore_mem>>)
      %dma_wait3A_172 = arith.constant 0 : i32
      %dma_wait3A_173 = tpu.memref_slice %arg13[%add3A_33, %dma_wait3A_172] : memref<10240x128xf32, #tpu.memory_space<vmem_shared>> -> memref<32x128xf32, #tpu.memory_space<vmem_shared>>
      %dma_wait3A_174 = arith.constant 0 : i32
      %dma_wait3A_175 = tpu.memref_slice %arg13[%add3A_33, %dma_wait3A_174] : memref<10240x128xf32, #tpu.memory_space<vmem_shared>> -> memref<32x128xf32, #tpu.memory_space<vmem_shared>>
      tpu.wait_dma2 semaphore(%run_scoped3A : memref<!tpu.dma_semaphore, #tpu.memory_space<semaphore_mem>>) src(%arg12 : memref<32x128xf32, #tpu.memory_space<vmem>>) dst(%dma_wait3A_175 : memref<32x128xf32, #tpu.memory_space<vmem_shared>>)
      tpu.yield
    }) : () -> ()
    %mul3A_34 = arith.constant 640 : i32
    %mul3A_35 = arith.muli %arg1, %mul3A_34 : i32
    %add3A_36 = arith.constant 96 : i32
    %add3A_37 = arith.addi %mul3A_35, %add3A_36 : i32
    "tpu.region"() ({
      %run_scoped3A = tpu.sem_alloc : memref<!tpu.dma_semaphore, #tpu.memory_space<semaphore_mem>>
      %dma_start3A_168 = arith.constant 0 : i32
      %dma_start3A_169 = tpu.memref_slice %arg13[%add3A_37, %dma_start3A_168] : memref<10240x128xf32, #tpu.memory_space<vmem_shared>> -> memref<32x128xf32, #tpu.memory_space<vmem_shared>>
      %dma_start3A_170 = arith.constant 0 : i32
      %dma_start3A_171 = tpu.memref_slice %arg13[%add3A_37, %dma_start3A_170] : memref<10240x128xf32, #tpu.memory_space<vmem_shared>> -> memref<32x128xf32, #tpu.memory_space<vmem_shared>>
      tpu.enqueue_dma source(%arg12 : memref<32x128xf32, #tpu.memory_space<vmem>>) target(%dma_start3A_171 : memref<32x128xf32, #tpu.memory_space<vmem_shared>>) target_semaphore(%run_scoped3A : memref<!tpu.dma_semaphore, #tpu.memory_space<semaphore_mem>>)
      %dma_wait3A_172 = arith.constant 0 : i32
      %dma_wait3A_173 = tpu.memref_slice %arg13[%add3A_37, %dma_wait3A_172] : memref<10240x128xf32, #tpu.memory_space<vmem_shared>> -> memref<32x128xf32, #tpu.memory_space<vmem_shared>>
      %dma_wait3A_174 = arith.constant 0 : i32
      %dma_wait3A_175 = tpu.memref_slice %arg13[%add3A_37, %dma_wait3A_174] : memref<10240x128xf32, #tpu.memory_space<vmem_shared>> -> memref<32x128xf32, #tpu.memory_space<vmem_shared>>
      tpu.wait_dma2 semaphore(%run_scoped3A : memref<!tpu.dma_semaphore, #tpu.memory_space<semaphore_mem>>) src(%arg12 : memref<32x128xf32, #tpu.memory_space<vmem>>) dst(%dma_wait3A_175 : memref<32x128xf32, #tpu.memory_space<vmem_shared>>)
      tpu.yield
    }) : () -> ()
    %mul3A_38 = arith.constant 640 : i32
    %mul3A_39 = arith.muli %arg1, %mul3A_38 : i32
    %add3A_40 = arith.constant 128 : i32
    %add3A_41 = arith.addi %mul3A_39, %add3A_40 : i32
    "tpu.region"() ({
      %run_scoped3A = tpu.sem_alloc : memref<!tpu.dma_semaphore, #tpu.memory_space<semaphore_mem>>
      %dma_start3A_168 = arith.constant 0 : i32
      %dma_start3A_169 = tpu.memref_slice %arg13[%add3A_41, %dma_start3A_168] : memref<10240x128xf32, #tpu.memory_space<vmem_shared>> -> memref<32x128xf32, #tpu.memory_space<vmem_shared>>
      %dma_start3A_170 = arith.constant 0 : i32
      %dma_start3A_171 = tpu.memref_slice %arg13[%add3A_41, %dma_start3A_170] : memref<10240x128xf32, #tpu.memory_space<vmem_shared>> -> memref<32x128xf32, #tpu.memory_space<vmem_shared>>
      tpu.enqueue_dma source(%arg12 : memref<32x128xf32, #tpu.memory_space<vmem>>) target(%dma_start3A_171 : memref<32x128xf32, #tpu.memory_space<vmem_shared>>) target_semaphore(%run_scoped3A : memref<!tpu.dma_semaphore, #tpu.memory_space<semaphore_mem>>)
      %dma_wait3A_172 = arith.constant 0 : i32
      %dma_wait3A_173 = tpu.memref_slice %arg13[%add3A_41, %dma_wait3A_172] : memref<10240x128xf32, #tpu.memory_space<vmem_shared>> -> memref<32x128xf32, #tpu.memory_space<vmem_shared>>
      %dma_wait3A_174 = arith.constant 0 : i32
      %dma_wait3A_175 = tpu.memref_slice %arg13[%add3A_41, %dma_wait3A_174] : memref<10240x128xf32, #tpu.memory_space<vmem_shared>> -> memref<32x128xf32, #tpu.memory_space<vmem_shared>>
      tpu.wait_dma2 semaphore(%run_scoped3A : memref<!tpu.dma_semaphore, #tpu.memory_space<semaphore_mem>>) src(%arg12 : memref<32x128xf32, #tpu.memory_space<vmem>>) dst(%dma_wait3A_175 : memref<32x128xf32, #tpu.memory_space<vmem_shared>>)
      tpu.yield
    }) : () -> ()
    %mul3A_42 = arith.constant 640 : i32
    %mul3A_43 = arith.muli %arg1, %mul3A_42 : i32
    %add3A_44 = arith.constant 160 : i32
    %add3A_45 = arith.addi %mul3A_43, %add3A_44 : i32
    "tpu.region"() ({
      %run_scoped3A = tpu.sem_alloc : memref<!tpu.dma_semaphore, #tpu.memory_space<semaphore_mem>>
      %dma_start3A_168 = arith.constant 0 : i32
      %dma_start3A_169 = tpu.memref_slice %arg13[%add3A_45, %dma_start3A_168] : memref<10240x128xf32, #tpu.memory_space<vmem_shared>> -> memref<32x128xf32, #tpu.memory_space<vmem_shared>>
      %dma_start3A_170 = arith.constant 0 : i32
      %dma_start3A_171 = tpu.memref_slice %arg13[%add3A_45, %dma_start3A_170] : memref<10240x128xf32, #tpu.memory_space<vmem_shared>> -> memref<32x128xf32, #tpu.memory_space<vmem_shared>>
      tpu.enqueue_dma source(%arg12 : memref<32x128xf32, #tpu.memory_space<vmem>>) target(%dma_start3A_171 : memref<32x128xf32, #tpu.memory_space<vmem_shared>>) target_semaphore(%run_scoped3A : memref<!tpu.dma_semaphore, #tpu.memory_space<semaphore_mem>>)
      %dma_wait3A_172 = arith.constant 0 : i32
      %dma_wait3A_173 = tpu.memref_slice %arg13[%add3A_45, %dma_wait3A_172] : memref<10240x128xf32, #tpu.memory_space<vmem_shared>> -> memref<32x128xf32, #tpu.memory_space<vmem_shared>>
      %dma_wait3A_174 = arith.constant 0 : i32
      %dma_wait3A_175 = tpu.memref_slice %arg13[%add3A_45, %dma_wait3A_174] : memref<10240x128xf32, #tpu.memory_space<vmem_shared>> -> memref<32x128xf32, #tpu.memory_space<vmem_shared>>
      tpu.wait_dma2 semaphore(%run_scoped3A : memref<!tpu.dma_semaphore, #tpu.memory_space<semaphore_mem>>) src(%arg12 : memref<32x128xf32, #tpu.memory_space<vmem>>) dst(%dma_wait3A_175 : memref<32x128xf32, #tpu.memory_space<vmem_shared>>)
      tpu.yield
    }) : () -> ()
    %mul3A_46 = arith.constant 640 : i32
    %mul3A_47 = arith.muli %arg1, %mul3A_46 : i32
    %add3A_48 = arith.constant 192 : i32
    %add3A_49 = arith.addi %mul3A_47, %add3A_48 : i32
    "tpu.region"() ({
      %run_scoped3A = tpu.sem_alloc : memref<!tpu.dma_semaphore, #tpu.memory_space<semaphore_mem>>
      %dma_start3A_168 = arith.constant 0 : i32
      %dma_start3A_169 = tpu.memref_slice %arg13[%add3A_49, %dma_start3A_168] : memref<10240x128xf32, #tpu.memory_space<vmem_shared>> -> memref<32x128xf32, #tpu.memory_space<vmem_shared>>
      %dma_start3A_170 = arith.constant 0 : i32
      %dma_start3A_171 = tpu.memref_slice %arg13[%add3A_49, %dma_start3A_170] : memref<10240x128xf32, #tpu.memory_space<vmem_shared>> -> memref<32x128xf32, #tpu.memory_space<vmem_shared>>
      tpu.enqueue_dma source(%arg12 : memref<32x128xf32, #tpu.memory_space<vmem>>) target(%dma_start3A_171 : memref<32x128xf32, #tpu.memory_space<vmem_shared>>) target_semaphore(%run_scoped3A : memref<!tpu.dma_semaphore, #tpu.memory_space<semaphore_mem>>)
      %dma_wait3A_172 = arith.constant 0 : i32
      %dma_wait3A_173 = tpu.memref_slice %arg13[%add3A_49, %dma_wait3A_172] : memref<10240x128xf32, #tpu.memory_space<vmem_shared>> -> memref<32x128xf32, #tpu.memory_space<vmem_shared>>
      %dma_wait3A_174 = arith.constant 0 : i32
      %dma_wait3A_175 = tpu.memref_slice %arg13[%add3A_49, %dma_wait3A_174] : memref<10240x128xf32, #tpu.memory_space<vmem_shared>> -> memref<32x128xf32, #tpu.memory_space<vmem_shared>>
      tpu.wait_dma2 semaphore(%run_scoped3A : memref<!tpu.dma_semaphore, #tpu.memory_space<semaphore_mem>>) src(%arg12 : memref<32x128xf32, #tpu.memory_space<vmem>>) dst(%dma_wait3A_175 : memref<32x128xf32, #tpu.memory_space<vmem_shared>>)
      tpu.yield
    }) : () -> ()
    %mul3A_50 = arith.constant 640 : i32
    %mul3A_51 = arith.muli %arg1, %mul3A_50 : i32
    %add3A_52 = arith.constant 224 : i32
    %add3A_53 = arith.addi %mul3A_51, %add3A_52 : i32
    "tpu.region"() ({
      %run_scoped3A = tpu.sem_alloc : memref<!tpu.dma_semaphore, #tpu.memory_space<semaphore_mem>>
      %dma_start3A_168 = arith.constant 0 : i32
      %dma_start3A_169 = tpu.memref_slice %arg13[%add3A_53, %dma_start3A_168] : memref<10240x128xf32, #tpu.memory_space<vmem_shared>> -> memref<32x128xf32, #tpu.memory_space<vmem_shared>>
      %dma_start3A_170 = arith.constant 0 : i32
      %dma_start3A_171 = tpu.memref_slice %arg13[%add3A_53, %dma_start3A_170] : memref<10240x128xf32, #tpu.memory_space<vmem_shared>> -> memref<32x128xf32, #tpu.memory_space<vmem_shared>>
      tpu.enqueue_dma source(%arg12 : memref<32x128xf32, #tpu.memory_space<vmem>>) target(%dma_start3A_171 : memref<32x128xf32, #tpu.memory_space<vmem_shared>>) target_semaphore(%run_scoped3A : memref<!tpu.dma_semaphore, #tpu.memory_space<semaphore_mem>>)
      %dma_wait3A_172 = arith.constant 0 : i32
      %dma_wait3A_173 = tpu.memref_slice %arg13[%add3A_53, %dma_wait3A_172] : memref<10240x128xf32, #tpu.memory_space<vmem_shared>> -> memref<32x128xf32, #tpu.memory_space<vmem_shared>>
      %dma_wait3A_174 = arith.constant 0 : i32
      %dma_wait3A_175 = tpu.memref_slice %arg13[%add3A_53, %dma_wait3A_174] : memref<10240x128xf32, #tpu.memory_space<vmem_shared>> -> memref<32x128xf32, #tpu.memory_space<vmem_shared>>
      tpu.wait_dma2 semaphore(%run_scoped3A : memref<!tpu.dma_semaphore, #tpu.memory_space<semaphore_mem>>) src(%arg12 : memref<32x128xf32, #tpu.memory_space<vmem>>) dst(%dma_wait3A_175 : memref<32x128xf32, #tpu.memory_space<vmem_shared>>)
      tpu.yield
    }) : () -> ()
    %mul3A_54 = arith.constant 640 : i32
    %mul3A_55 = arith.muli %arg1, %mul3A_54 : i32
    %add3A_56 = arith.constant 256 : i32
    %add3A_57 = arith.addi %mul3A_55, %add3A_56 : i32
    "tpu.region"() ({
      %run_scoped3A = tpu.sem_alloc : memref<!tpu.dma_semaphore, #tpu.memory_space<semaphore_mem>>
      %dma_start3A_168 = arith.constant 0 : i32
      %dma_start3A_169 = tpu.memref_slice %arg13[%add3A_57, %dma_start3A_168] : memref<10240x128xf32, #tpu.memory_space<vmem_shared>> -> memref<32x128xf32, #tpu.memory_space<vmem_shared>>
      %dma_start3A_170 = arith.constant 0 : i32
      %dma_start3A_171 = tpu.memref_slice %arg13[%add3A_57, %dma_start3A_170] : memref<10240x128xf32, #tpu.memory_space<vmem_shared>> -> memref<32x128xf32, #tpu.memory_space<vmem_shared>>
      tpu.enqueue_dma source(%arg12 : memref<32x128xf32, #tpu.memory_space<vmem>>) target(%dma_start3A_171 : memref<32x128xf32, #tpu.memory_space<vmem_shared>>) target_semaphore(%run_scoped3A : memref<!tpu.dma_semaphore, #tpu.memory_space<semaphore_mem>>)
      %dma_wait3A_172 = arith.constant 0 : i32
      %dma_wait3A_173 = tpu.memref_slice %arg13[%add3A_57, %dma_wait3A_172] : memref<10240x128xf32, #tpu.memory_space<vmem_shared>> -> memref<32x128xf32, #tpu.memory_space<vmem_shared>>
      %dma_wait3A_174 = arith.constant 0 : i32
      %dma_wait3A_175 = tpu.memref_slice %arg13[%add3A_57, %dma_wait3A_174] : memref<10240x128xf32, #tpu.memory_space<vmem_shared>> -> memref<32x128xf32, #tpu.memory_space<vmem_shared>>
      tpu.wait_dma2 semaphore(%run_scoped3A : memref<!tpu.dma_semaphore, #tpu.memory_space<semaphore_mem>>) src(%arg12 : memref<32x128xf32, #tpu.memory_space<vmem>>) dst(%dma_wait3A_175 : memref<32x128xf32, #tpu.memory_space<vmem_shared>>)
      tpu.yield
    }) : () -> ()
    %mul3A_58 = arith.constant 640 : i32
    %mul3A_59 = arith.muli %arg1, %mul3A_58 : i32
    %add3A_60 = arith.constant 288 : i32
    %add3A_61 = arith.addi %mul3A_59, %add3A_60 : i32
    "tpu.region"() ({
      %run_scoped3A = tpu.sem_alloc : memref<!tpu.dma_semaphore, #tpu.memory_space<semaphore_mem>>
      %dma_start3A_168 = arith.constant 0 : i32
      %dma_start3A_169 = tpu.memref_slice %arg13[%add3A_61, %dma_start3A_168] : memref<10240x128xf32, #tpu.memory_space<vmem_shared>> -> memref<32x128xf32, #tpu.memory_space<vmem_shared>>
      %dma_start3A_170 = arith.constant 0 : i32
      %dma_start3A_171 = tpu.memref_slice %arg13[%add3A_61, %dma_start3A_170] : memref<10240x128xf32, #tpu.memory_space<vmem_shared>> -> memref<32x128xf32, #tpu.memory_space<vmem_shared>>
      tpu.enqueue_dma source(%arg12 : memref<32x128xf32, #tpu.memory_space<vmem>>) target(%dma_start3A_171 : memref<32x128xf32, #tpu.memory_space<vmem_shared>>) target_semaphore(%run_scoped3A : memref<!tpu.dma_semaphore, #tpu.memory_space<semaphore_mem>>)
      %dma_wait3A_172 = arith.constant 0 : i32
      %dma_wait3A_173 = tpu.memref_slice %arg13[%add3A_61, %dma_wait3A_172] : memref<10240x128xf32, #tpu.memory_space<vmem_shared>> -> memref<32x128xf32, #tpu.memory_space<vmem_shared>>
      %dma_wait3A_174 = arith.constant 0 : i32
      %dma_wait3A_175 = tpu.memref_slice %arg13[%add3A_61, %dma_wait3A_174] : memref<10240x128xf32, #tpu.memory_space<vmem_shared>> -> memref<32x128xf32, #tpu.memory_space<vmem_shared>>
      tpu.wait_dma2 semaphore(%run_scoped3A : memref<!tpu.dma_semaphore, #tpu.memory_space<semaphore_mem>>) src(%arg12 : memref<32x128xf32, #tpu.memory_space<vmem>>) dst(%dma_wait3A_175 : memref<32x128xf32, #tpu.memory_space<vmem_shared>>)
      tpu.yield
    }) : () -> ()
    %mul3A_62 = arith.constant 640 : i32
    %mul3A_63 = arith.muli %arg1, %mul3A_62 : i32
    %add3A_64 = arith.constant 320 : i32
    %add3A_65 = arith.addi %mul3A_63, %add3A_64 : i32
    "tpu.region"() ({
      %run_scoped3A = tpu.sem_alloc : memref<!tpu.dma_semaphore, #tpu.memory_space<semaphore_mem>>
      %dma_start3A_168 = arith.constant 0 : i32
      %dma_start3A_169 = tpu.memref_slice %arg13[%add3A_65, %dma_start3A_168] : memref<10240x128xf32, #tpu.memory_space<vmem_shared>> -> memref<32x128xf32, #tpu.memory_space<vmem_shared>>
      %dma_start3A_170 = arith.constant 0 : i32
      %dma_start3A_171 = tpu.memref_slice %arg13[%add3A_65, %dma_start3A_170] : memref<10240x128xf32, #tpu.memory_space<vmem_shared>> -> memref<32x128xf32, #tpu.memory_space<vmem_shared>>
      tpu.enqueue_dma source(%arg12 : memref<32x128xf32, #tpu.memory_space<vmem>>) target(%dma_start3A_171 : memref<32x128xf32, #tpu.memory_space<vmem_shared>>) target_semaphore(%run_scoped3A : memref<!tpu.dma_semaphore, #tpu.memory_space<semaphore_mem>>)
      %dma_wait3A_172 = arith.constant 0 : i32
      %dma_wait3A_173 = tpu.memref_slice %arg13[%add3A_65, %dma_wait3A_172] : memref<10240x128xf32, #tpu.memory_space<vmem_shared>> -> memref<32x128xf32, #tpu.memory_space<vmem_shared>>
      %dma_wait3A_174 = arith.constant 0 : i32
      %dma_wait3A_175 = tpu.memref_slice %arg13[%add3A_65, %dma_wait3A_174] : memref<10240x128xf32, #tpu.memory_space<vmem_shared>> -> memref<32x128xf32, #tpu.memory_space<vmem_shared>>
      tpu.wait_dma2 semaphore(%run_scoped3A : memref<!tpu.dma_semaphore, #tpu.memory_space<semaphore_mem>>) src(%arg12 : memref<32x128xf32, #tpu.memory_space<vmem>>) dst(%dma_wait3A_175 : memref<32x128xf32, #tpu.memory_space<vmem_shared>>)
      tpu.yield
    }) : () -> ()
    %mul3A_66 = arith.constant 640 : i32
    %mul3A_67 = arith.muli %arg1, %mul3A_66 : i32
    %add3A_68 = arith.constant 352 : i32
    %add3A_69 = arith.addi %mul3A_67, %add3A_68 : i32
    "tpu.region"() ({
      %run_scoped3A = tpu.sem_alloc : memref<!tpu.dma_semaphore, #tpu.memory_space<semaphore_mem>>
      %dma_start3A_168 = arith.constant 0 : i32
      %dma_start3A_169 = tpu.memref_slice %arg13[%add3A_69, %dma_start3A_168] : memref<10240x128xf32, #tpu.memory_space<vmem_shared>> -> memref<32x128xf32, #tpu.memory_space<vmem_shared>>
      %dma_start3A_170 = arith.constant 0 : i32
      %dma_start3A_171 = tpu.memref_slice %arg13[%add3A_69, %dma_start3A_170] : memref<10240x128xf32, #tpu.memory_space<vmem_shared>> -> memref<32x128xf32, #tpu.memory_space<vmem_shared>>
      tpu.enqueue_dma source(%arg12 : memref<32x128xf32, #tpu.memory_space<vmem>>) target(%dma_start3A_171 : memref<32x128xf32, #tpu.memory_space<vmem_shared>>) target_semaphore(%run_scoped3A : memref<!tpu.dma_semaphore, #tpu.memory_space<semaphore_mem>>)
      %dma_wait3A_172 = arith.constant 0 : i32
      %dma_wait3A_173 = tpu.memref_slice %arg13[%add3A_69, %dma_wait3A_172] : memref<10240x128xf32, #tpu.memory_space<vmem_shared>> -> memref<32x128xf32, #tpu.memory_space<vmem_shared>>
      %dma_wait3A_174 = arith.constant 0 : i32
      %dma_wait3A_175 = tpu.memref_slice %arg13[%add3A_69, %dma_wait3A_174] : memref<10240x128xf32, #tpu.memory_space<vmem_shared>> -> memref<32x128xf32, #tpu.memory_space<vmem_shared>>
      tpu.wait_dma2 semaphore(%run_scoped3A : memref<!tpu.dma_semaphore, #tpu.memory_space<semaphore_mem>>) src(%arg12 : memref<32x128xf32, #tpu.memory_space<vmem>>) dst(%dma_wait3A_175 : memref<32x128xf32, #tpu.memory_space<vmem_shared>>)
      tpu.yield
    }) : () -> ()
    %mul3A_70 = arith.constant 640 : i32
    %mul3A_71 = arith.muli %arg1, %mul3A_70 : i32
    %add3A_72 = arith.constant 384 : i32
    %add3A_73 = arith.addi %mul3A_71, %add3A_72 : i32
    "tpu.region"() ({
      %run_scoped3A = tpu.sem_alloc : memref<!tpu.dma_semaphore, #tpu.memory_space<semaphore_mem>>
      %dma_start3A_168 = arith.constant 0 : i32
      %dma_start3A_169 = tpu.memref_slice %arg13[%add3A_73, %dma_start3A_168] : memref<10240x128xf32, #tpu.memory_space<vmem_shared>> -> memref<32x128xf32, #tpu.memory_space<vmem_shared>>
      %dma_start3A_170 = arith.constant 0 : i32
      %dma_start3A_171 = tpu.memref_slice %arg13[%add3A_73, %dma_start3A_170] : memref<10240x128xf32, #tpu.memory_space<vmem_shared>> -> memref<32x128xf32, #tpu.memory_space<vmem_shared>>
      tpu.enqueue_dma source(%arg12 : memref<32x128xf32, #tpu.memory_space<vmem>>) target(%dma_start3A_171 : memref<32x128xf32, #tpu.memory_space<vmem_shared>>) target_semaphore(%run_scoped3A : memref<!tpu.dma_semaphore, #tpu.memory_space<semaphore_mem>>)
      %dma_wait3A_172 = arith.constant 0 : i32
      %dma_wait3A_173 = tpu.memref_slice %arg13[%add3A_73, %dma_wait3A_172] : memref<10240x128xf32, #tpu.memory_space<vmem_shared>> -> memref<32x128xf32, #tpu.memory_space<vmem_shared>>
      %dma_wait3A_174 = arith.constant 0 : i32
      %dma_wait3A_175 = tpu.memref_slice %arg13[%add3A_73, %dma_wait3A_174] : memref<10240x128xf32, #tpu.memory_space<vmem_shared>> -> memref<32x128xf32, #tpu.memory_space<vmem_shared>>
      tpu.wait_dma2 semaphore(%run_scoped3A : memref<!tpu.dma_semaphore, #tpu.memory_space<semaphore_mem>>) src(%arg12 : memref<32x128xf32, #tpu.memory_space<vmem>>) dst(%dma_wait3A_175 : memref<32x128xf32, #tpu.memory_space<vmem_shared>>)
      tpu.yield
    }) : () -> ()
    %mul3A_74 = arith.constant 640 : i32
    %mul3A_75 = arith.muli %arg1, %mul3A_74 : i32
    %add3A_76 = arith.constant 416 : i32
    %add3A_77 = arith.addi %mul3A_75, %add3A_76 : i32
    "tpu.region"() ({
      %run_scoped3A = tpu.sem_alloc : memref<!tpu.dma_semaphore, #tpu.memory_space<semaphore_mem>>
      %dma_start3A_168 = arith.constant 0 : i32
      %dma_start3A_169 = tpu.memref_slice %arg13[%add3A_77, %dma_start3A_168] : memref<10240x128xf32, #tpu.memory_space<vmem_shared>> -> memref<32x128xf32, #tpu.memory_space<vmem_shared>>
      %dma_start3A_170 = arith.constant 0 : i32
      %dma_start3A_171 = tpu.memref_slice %arg13[%add3A_77, %dma_start3A_170] : memref<10240x128xf32, #tpu.memory_space<vmem_shared>> -> memref<32x128xf32, #tpu.memory_space<vmem_shared>>
      tpu.enqueue_dma source(%arg12 : memref<32x128xf32, #tpu.memory_space<vmem>>) target(%dma_start3A_171 : memref<32x128xf32, #tpu.memory_space<vmem_shared>>) target_semaphore(%run_scoped3A : memref<!tpu.dma_semaphore, #tpu.memory_space<semaphore_mem>>)
      %dma_wait3A_172 = arith.constant 0 : i32
      %dma_wait3A_173 = tpu.memref_slice %arg13[%add3A_77, %dma_wait3A_172] : memref<10240x128xf32, #tpu.memory_space<vmem_shared>> -> memref<32x128xf32, #tpu.memory_space<vmem_shared>>
      %dma_wait3A_174 = arith.constant 0 : i32
      %dma_wait3A_175 = tpu.memref_slice %arg13[%add3A_77, %dma_wait3A_174] : memref<10240x128xf32, #tpu.memory_space<vmem_shared>> -> memref<32x128xf32, #tpu.memory_space<vmem_shared>>
      tpu.wait_dma2 semaphore(%run_scoped3A : memref<!tpu.dma_semaphore, #tpu.memory_space<semaphore_mem>>) src(%arg12 : memref<32x128xf32, #tpu.memory_space<vmem>>) dst(%dma_wait3A_175 : memref<32x128xf32, #tpu.memory_space<vmem_shared>>)
      tpu.yield
    }) : () -> ()
    %mul3A_78 = arith.constant 640 : i32
    %mul3A_79 = arith.muli %arg1, %mul3A_78 : i32
    %add3A_80 = arith.constant 448 : i32
    %add3A_81 = arith.addi %mul3A_79, %add3A_80 : i32
    "tpu.region"() ({
      %run_scoped3A = tpu.sem_alloc : memref<!tpu.dma_semaphore, #tpu.memory_space<semaphore_mem>>
      %dma_start3A_168 = arith.constant 0 : i32
      %dma_start3A_169 = tpu.memref_slice %arg13[%add3A_81, %dma_start3A_168] : memref<10240x128xf32, #tpu.memory_space<vmem_shared>> -> memref<32x128xf32, #tpu.memory_space<vmem_shared>>
      %dma_start3A_170 = arith.constant 0 : i32
      %dma_start3A_171 = tpu.memref_slice %arg13[%add3A_81, %dma_start3A_170] : memref<10240x128xf32, #tpu.memory_space<vmem_shared>> -> memref<32x128xf32, #tpu.memory_space<vmem_shared>>
      tpu.enqueue_dma source(%arg12 : memref<32x128xf32, #tpu.memory_space<vmem>>) target(%dma_start3A_171 : memref<32x128xf32, #tpu.memory_space<vmem_shared>>) target_semaphore(%run_scoped3A : memref<!tpu.dma_semaphore, #tpu.memory_space<semaphore_mem>>)
      %dma_wait3A_172 = arith.constant 0 : i32
      %dma_wait3A_173 = tpu.memref_slice %arg13[%add3A_81, %dma_wait3A_172] : memref<10240x128xf32, #tpu.memory_space<vmem_shared>> -> memref<32x128xf32, #tpu.memory_space<vmem_shared>>
      %dma_wait3A_174 = arith.constant 0 : i32
      %dma_wait3A_175 = tpu.memref_slice %arg13[%add3A_81, %dma_wait3A_174] : memref<10240x128xf32, #tpu.memory_space<vmem_shared>> -> memref<32x128xf32, #tpu.memory_space<vmem_shared>>
      tpu.wait_dma2 semaphore(%run_scoped3A : memref<!tpu.dma_semaphore, #tpu.memory_space<semaphore_mem>>) src(%arg12 : memref<32x128xf32, #tpu.memory_space<vmem>>) dst(%dma_wait3A_175 : memref<32x128xf32, #tpu.memory_space<vmem_shared>>)
      tpu.yield
    }) : () -> ()
    %mul3A_82 = arith.constant 640 : i32
    %mul3A_83 = arith.muli %arg1, %mul3A_82 : i32
    %add3A_84 = arith.constant 480 : i32
    %add3A_85 = arith.addi %mul3A_83, %add3A_84 : i32
    "tpu.region"() ({
      %run_scoped3A = tpu.sem_alloc : memref<!tpu.dma_semaphore, #tpu.memory_space<semaphore_mem>>
      %dma_start3A_168 = arith.constant 0 : i32
      %dma_start3A_169 = tpu.memref_slice %arg13[%add3A_85, %dma_start3A_168] : memref<10240x128xf32, #tpu.memory_space<vmem_shared>> -> memref<32x128xf32, #tpu.memory_space<vmem_shared>>
      %dma_start3A_170 = arith.constant 0 : i32
      %dma_start3A_171 = tpu.memref_slice %arg13[%add3A_85, %dma_start3A_170] : memref<10240x128xf32, #tpu.memory_space<vmem_shared>> -> memref<32x128xf32, #tpu.memory_space<vmem_shared>>
      tpu.enqueue_dma source(%arg12 : memref<32x128xf32, #tpu.memory_space<vmem>>) target(%dma_start3A_171 : memref<32x128xf32, #tpu.memory_space<vmem_shared>>) target_semaphore(%run_scoped3A : memref<!tpu.dma_semaphore, #tpu.memory_space<semaphore_mem>>)
      %dma_wait3A_172 = arith.constant 0 : i32
      %dma_wait3A_173 = tpu.memref_slice %arg13[%add3A_85, %dma_wait3A_172] : memref<10240x128xf32, #tpu.memory_space<vmem_shared>> -> memref<32x128xf32, #tpu.memory_space<vmem_shared>>
      %dma_wait3A_174 = arith.constant 0 : i32
      %dma_wait3A_175 = tpu.memref_slice %arg13[%add3A_85, %dma_wait3A_174] : memref<10240x128xf32, #tpu.memory_space<vmem_shared>> -> memref<32x128xf32, #tpu.memory_space<vmem_shared>>
      tpu.wait_dma2 semaphore(%run_scoped3A : memref<!tpu.dma_semaphore, #tpu.memory_space<semaphore_mem>>) src(%arg12 : memref<32x128xf32, #tpu.memory_space<vmem>>) dst(%dma_wait3A_175 : memref<32x128xf32, #tpu.memory_space<vmem_shared>>)
      tpu.yield
    }) : () -> ()
    %mul3A_86 = arith.constant 640 : i32
    %mul3A_87 = arith.muli %arg1, %mul3A_86 : i32
    %add3A_88 = arith.constant 512 : i32
    %add3A_89 = arith.addi %mul3A_87, %add3A_88 : i32
    "tpu.region"() ({
      %run_scoped3A = tpu.sem_alloc : memref<!tpu.dma_semaphore, #tpu.memory_space<semaphore_mem>>
      %dma_start3A_168 = arith.constant 0 : i32
      %dma_start3A_169 = tpu.memref_slice %arg13[%add3A_89, %dma_start3A_168] : memref<10240x128xf32, #tpu.memory_space<vmem_shared>> -> memref<32x128xf32, #tpu.memory_space<vmem_shared>>
      %dma_start3A_170 = arith.constant 0 : i32
      %dma_start3A_171 = tpu.memref_slice %arg13[%add3A_89, %dma_start3A_170] : memref<10240x128xf32, #tpu.memory_space<vmem_shared>> -> memref<32x128xf32, #tpu.memory_space<vmem_shared>>
      tpu.enqueue_dma source(%arg12 : memref<32x128xf32, #tpu.memory_space<vmem>>) target(%dma_start3A_171 : memref<32x128xf32, #tpu.memory_space<vmem_shared>>) target_semaphore(%run_scoped3A : memref<!tpu.dma_semaphore, #tpu.memory_space<semaphore_mem>>)
      %dma_wait3A_172 = arith.constant 0 : i32
      %dma_wait3A_173 = tpu.memref_slice %arg13[%add3A_89, %dma_wait3A_172] : memref<10240x128xf32, #tpu.memory_space<vmem_shared>> -> memref<32x128xf32, #tpu.memory_space<vmem_shared>>
      %dma_wait3A_174 = arith.constant 0 : i32
      %dma_wait3A_175 = tpu.memref_slice %arg13[%add3A_89, %dma_wait3A_174] : memref<10240x128xf32, #tpu.memory_space<vmem_shared>> -> memref<32x128xf32, #tpu.memory_space<vmem_shared>>
      tpu.wait_dma2 semaphore(%run_scoped3A : memref<!tpu.dma_semaphore, #tpu.memory_space<semaphore_mem>>) src(%arg12 : memref<32x128xf32, #tpu.memory_space<vmem>>) dst(%dma_wait3A_175 : memref<32x128xf32, #tpu.memory_space<vmem_shared>>)
      tpu.yield
    }) : () -> ()
    %mul3A_90 = arith.constant 640 : i32
    %mul3A_91 = arith.muli %arg1, %mul3A_90 : i32
    %add3A_92 = arith.constant 544 : i32
    %add3A_93 = arith.addi %mul3A_91, %add3A_92 : i32
    "tpu.region"() ({
      %run_scoped3A = tpu.sem_alloc : memref<!tpu.dma_semaphore, #tpu.memory_space<semaphore_mem>>
      %dma_start3A_168 = arith.constant 0 : i32
      %dma_start3A_169 = tpu.memref_slice %arg13[%add3A_93, %dma_start3A_168] : memref<10240x128xf32, #tpu.memory_space<vmem_shared>> -> memref<32x128xf32, #tpu.memory_space<vmem_shared>>
      %dma_start3A_170 = arith.constant 0 : i32
      %dma_start3A_171 = tpu.memref_slice %arg13[%add3A_93, %dma_start3A_170] : memref<10240x128xf32, #tpu.memory_space<vmem_shared>> -> memref<32x128xf32, #tpu.memory_space<vmem_shared>>
      tpu.enqueue_dma source(%arg12 : memref<32x128xf32, #tpu.memory_space<vmem>>) target(%dma_start3A_171 : memref<32x128xf32, #tpu.memory_space<vmem_shared>>) target_semaphore(%run_scoped3A : memref<!tpu.dma_semaphore, #tpu.memory_space<semaphore_mem>>)
      %dma_wait3A_172 = arith.constant 0 : i32
      %dma_wait3A_173 = tpu.memref_slice %arg13[%add3A_93, %dma_wait3A_172] : memref<10240x128xf32, #tpu.memory_space<vmem_shared>> -> memref<32x128xf32, #tpu.memory_space<vmem_shared>>
      %dma_wait3A_174 = arith.constant 0 : i32
      %dma_wait3A_175 = tpu.memref_slice %arg13[%add3A_93, %dma_wait3A_174] : memref<10240x128xf32, #tpu.memory_space<vmem_shared>> -> memref<32x128xf32, #tpu.memory_space<vmem_shared>>
      tpu.wait_dma2 semaphore(%run_scoped3A : memref<!tpu.dma_semaphore, #tpu.memory_space<semaphore_mem>>) src(%arg12 : memref<32x128xf32, #tpu.memory_space<vmem>>) dst(%dma_wait3A_175 : memref<32x128xf32, #tpu.memory_space<vmem_shared>>)
      tpu.yield
    }) : () -> ()
    %mul3A_94 = arith.constant 640 : i32
    %mul3A_95 = arith.muli %arg1, %mul3A_94 : i32
    %add3A_96 = arith.constant 576 : i32
    %add3A_97 = arith.addi %mul3A_95, %add3A_96 : i32
    "tpu.region"() ({
      %run_scoped3A = tpu.sem_alloc : memref<!tpu.dma_semaphore, #tpu.memory_space<semaphore_mem>>
      %dma_start3A_168 = arith.constant 0 : i32
      %dma_start3A_169 = tpu.memref_slice %arg13[%add3A_97, %dma_start3A_168] : memref<10240x128xf32, #tpu.memory_space<vmem_shared>> -> memref<32x128xf32, #tpu.memory_space<vmem_shared>>
      %dma_start3A_170 = arith.constant 0 : i32
      %dma_start3A_171 = tpu.memref_slice %arg13[%add3A_97, %dma_start3A_170] : memref<10240x128xf32, #tpu.memory_space<vmem_shared>> -> memref<32x128xf32, #tpu.memory_space<vmem_shared>>
      tpu.enqueue_dma source(%arg12 : memref<32x128xf32, #tpu.memory_space<vmem>>) target(%dma_start3A_171 : memref<32x128xf32, #tpu.memory_space<vmem_shared>>) target_semaphore(%run_scoped3A : memref<!tpu.dma_semaphore, #tpu.memory_space<semaphore_mem>>)
      %dma_wait3A_172 = arith.constant 0 : i32
      %dma_wait3A_173 = tpu.memref_slice %arg13[%add3A_97, %dma_wait3A_172] : memref<10240x128xf32, #tpu.memory_space<vmem_shared>> -> memref<32x128xf32, #tpu.memory_space<vmem_shared>>
      %dma_wait3A_174 = arith.constant 0 : i32
      %dma_wait3A_175 = tpu.memref_slice %arg13[%add3A_97, %dma_wait3A_174] : memref<10240x128xf32, #tpu.memory_space<vmem_shared>> -> memref<32x128xf32, #tpu.memory_space<vmem_shared>>
      tpu.wait_dma2 semaphore(%run_scoped3A : memref<!tpu.dma_semaphore, #tpu.memory_space<semaphore_mem>>) src(%arg12 : memref<32x128xf32, #tpu.memory_space<vmem>>) dst(%dma_wait3A_175 : memref<32x128xf32, #tpu.memory_space<vmem_shared>>)
      tpu.yield
    }) : () -> ()
    %mul3A_98 = arith.constant 640 : i32
    %mul3A_99 = arith.muli %arg1, %mul3A_98 : i32
    %add3A_100 = arith.constant 608 : i32
    %add3A_101 = arith.addi %mul3A_99, %add3A_100 : i32
    "tpu.region"() ({
      %run_scoped3A = tpu.sem_alloc : memref<!tpu.dma_semaphore, #tpu.memory_space<semaphore_mem>>
      %dma_start3A_168 = arith.constant 0 : i32
      %dma_start3A_169 = tpu.memref_slice %arg13[%add3A_101, %dma_start3A_168] : memref<10240x128xf32, #tpu.memory_space<vmem_shared>> -> memref<32x128xf32, #tpu.memory_space<vmem_shared>>
      %dma_start3A_170 = arith.constant 0 : i32
      %dma_start3A_171 = tpu.memref_slice %arg13[%add3A_101, %dma_start3A_170] : memref<10240x128xf32, #tpu.memory_space<vmem_shared>> -> memref<32x128xf32, #tpu.memory_space<vmem_shared>>
      tpu.enqueue_dma source(%arg12 : memref<32x128xf32, #tpu.memory_space<vmem>>) target(%dma_start3A_171 : memref<32x128xf32, #tpu.memory_space<vmem_shared>>) target_semaphore(%run_scoped3A : memref<!tpu.dma_semaphore, #tpu.memory_space<semaphore_mem>>)
      %dma_wait3A_172 = arith.constant 0 : i32
      %dma_wait3A_173 = tpu.memref_slice %arg13[%add3A_101, %dma_wait3A_172] : memref<10240x128xf32, #tpu.memory_space<vmem_shared>> -> memref<32x128xf32, #tpu.memory_space<vmem_shared>>
      %dma_wait3A_174 = arith.constant 0 : i32
      %dma_wait3A_175 = tpu.memref_slice %arg13[%add3A_101, %dma_wait3A_174] : memref<10240x128xf32, #tpu.memory_space<vmem_shared>> -> memref<32x128xf32, #tpu.memory_space<vmem_shared>>
      tpu.wait_dma2 semaphore(%run_scoped3A : memref<!tpu.dma_semaphore, #tpu.memory_space<semaphore_mem>>) src(%arg12 : memref<32x128xf32, #tpu.memory_space<vmem>>) dst(%dma_wait3A_175 : memref<32x128xf32, #tpu.memory_space<vmem_shared>>)
      tpu.yield
    }) : () -> ()
    %barrier3A = arith.constant 0 : index
    tpu.barrier barrier_id(%barrier3A)
    %dma_start3A = arith.constant 0 : i32
    %dma_start3A_102 = tpu.memref_slice %arg7[%dma_start3A] : memref<10048xi32, #tpu.memory_space<vmem>> -> memref<32xi32, #tpu.memory_space<vmem>>
    %dma_start3A_103 = arith.constant 0 : i32
    %dma_start3A_104 = arith.constant 0 : i32
    %dma_start3A_105 = tpu.memref_slice %arg2[%dma_start3A_103, %dma_start3A_104] : memref<10000x128xf32, #tpu.memory_space<hbm>> -> memref<10000x128xf32, #tpu.memory_space<hbm>>
    tpu.enqueue_indirect_dma source(%dma_start3A_105 : memref<10000x128xf32, #tpu.memory_space<hbm>>) target(%arg10 : memref<32x128xf32, #tpu.memory_space<vmem>>) offsets(%dma_start3A_102 : memref<32xi32, #tpu.memory_space<vmem>>) semaphore(%arg14 : memref<!tpu.dma_semaphore, #tpu.memory_space<semaphore_mem>>)
    %jit3A_106 = arith.constant 2 : i32
    %div3A = arith.divsi %select_n3A, %jit3A_106 : i32
    %sign3A = arith.constant 0 : i32
    %sign3A_107 = arith.cmpi sgt, %select_n3A, %sign3A : i32
    %sign3A_108 = arith.extui %sign3A_107 : i1 to i32
    %sign3A_109 = arith.constant 0 : i32
    %sign3A_110 = arith.cmpi slt, %select_n3A, %sign3A_109 : i32
    %sign3A_111 = arith.extui %sign3A_110 : i1 to i32
    %sign3A_112 = arith.subi %sign3A_108, %sign3A_111 : i32
    %sign3A_113 = arith.constant 0 : i32
    %sign3A_114 = arith.cmpi sgt, %jit3A_106, %sign3A_113 : i32
    %sign3A_115 = arith.extui %sign3A_114 : i1 to i32
    %sign3A_116 = arith.constant 0 : i32
    %sign3A_117 = arith.cmpi slt, %jit3A_106, %sign3A_116 : i32
    %sign3A_118 = arith.extui %sign3A_117 : i1 to i32
    %sign3A_119 = arith.subi %sign3A_115, %sign3A_118 : i32
    %ne3A_120 = arith.cmpi ne, %sign3A_112, %sign3A_119 : i32
    %rem3A = arith.remsi %select_n3A, %jit3A_106 : i32
    %ne3A_121 = arith.constant 0 : i32
    %ne3A_122 = arith.cmpi ne, %rem3A, %ne3A_121 : i32
    %and3A = arith.andi %ne3A_120, %ne3A_122 : i1
    %sub3A = arith.constant 1 : i32
    %sub3A_123 = arith.subi %div3A, %sub3A : i32
    %select_n3A_124 = arith.select %and3A, %sub3A_123, %div3A : i32
    %while3A = arith.constant 0 : i32
    %while3A_125 = arith.constant 0 : i32
    %while3A_126 = arith.subi %select_n3A_124, %while3A : i32
    %while3A_127 = arith.addi %while3A, %while3A_126 : i32
    %while3A_128 = arith.constant 1 : i32
    %while3A_129 = arith.divsi %while3A_126, %while3A_128 : i32
    %while3A_130 = arith.muli %while3A_129, %while3A_128 : i32
    %while3A_131 = arith.addi %while3A, %while3A_130 : i32
    %while3A_132 = arith.constant 1 : i32
    %while3A_133 = scf.for %while3A_168 = %while3A to %while3A_131 step %while3A_132 iter_args(%while3A_169 = %while3A_125) -> (i32)  : i32 {
      %mul3A_170 = arith.constant 2 : i32
      %mul3A_171 = arith.muli %mul3A_170, %while3A_168 : i32
      %add3A_172 = arith.constant 1 : i32
      %add3A_173 = arith.addi %mul3A_171, %add3A_172 : i32
      %lt3A_174 = arith.cmpi slt, %add3A_173, %select_n3A : i32
      %convert_element_type3A_175 = arith.extui %lt3A_174 : i1 to i32
      %cond3A_176 = arith.constant 0 : i32
      %cond3A_177 = arith.cmpi ne, %convert_element_type3A_175, %cond3A_176 : i32
      scf.if %cond3A_177 {
        %add3A_236 = arith.constant 1 : i32
        %add3A_237 = arith.addi %mul3A_171, %add3A_236 : i32
        %mul3A_238 = arith.constant 32 : i32
        %mul3A_239 = arith.muli %add3A_237, %mul3A_238 : i32
        %dma_start3A_240 = tpu.memref_slice %arg7[%mul3A_239] : memref<10048xi32, #tpu.memory_space<vmem>> -> memref<32xi32, #tpu.memory_space<vmem>>
        %dma_start3A_241 = arith.constant 0 : i32
        %dma_start3A_242 = arith.constant 0 : i32
        %dma_start3A_243 = tpu.memref_slice %arg2[%dma_start3A_241, %dma_start3A_242] : memref<10000x128xf32, #tpu.memory_space<hbm>> -> memref<10000x128xf32, #tpu.memory_space<hbm>>
        tpu.enqueue_indirect_dma source(%dma_start3A_243 : memref<10000x128xf32, #tpu.memory_space<hbm>>) target(%arg11 : memref<32x128xf32, #tpu.memory_space<vmem>>) offsets(%dma_start3A_240 : memref<32xi32, #tpu.memory_space<vmem>>) semaphore(%arg15 : memref<!tpu.dma_semaphore, #tpu.memory_space<semaphore_mem>>)
      } else {
      }
      %mul3A_178 = arith.constant 32 : i32
      %mul3A_179 = arith.muli %mul3A_171, %mul3A_178 : i32
      %dma_wait3A_180 = tpu.memref_slice %arg7[%mul3A_179] : memref<10048xi32, #tpu.memory_space<vmem>> -> memref<32xi32, #tpu.memory_space<vmem>>
      %dma_wait3A_181 = arith.constant 0 : i32
      %dma_wait3A_182 = arith.constant 0 : i32
      %dma_wait3A_183 = tpu.memref_slice %arg2[%dma_wait3A_181, %dma_wait3A_182] : memref<10000x128xf32, #tpu.memory_space<hbm>> -> memref<10000x128xf32, #tpu.memory_space<hbm>>
      tpu.wait_indirect_dma semaphore(%arg14 : memref<!tpu.dma_semaphore, #tpu.memory_space<semaphore_mem>>) src(%dma_wait3A_183 : memref<10000x128xf32, #tpu.memory_space<hbm>>) dst(%arg10 : memref<32x128xf32, #tpu.memory_space<vmem>>)
      %ge3A = arith.constant 1 : i32
      %ge3A_184 = arith.cmpi sge, %mul3A_171, %ge3A : i32
      %convert_element_type3A_185 = arith.extui %ge3A_184 : i1 to i32
      %cond3A_186 = arith.constant 0 : i32
      %cond3A_187 = arith.cmpi ne, %convert_element_type3A_185, %cond3A_186 : i32
      scf.if %cond3A_187 {
        %sub3A_236 = arith.constant 1 : i32
        %sub3A_237 = arith.subi %mul3A_171, %sub3A_236 : i32
        %mul3A_238 = arith.constant 32 : i32
        %mul3A_239 = arith.muli %sub3A_237, %mul3A_238 : i32
        %dma_wait3A_240 = tpu.memref_slice %arg8[%mul3A_239] : memref<10048xi32, #tpu.memory_space<vmem>> -> memref<32xi32, #tpu.memory_space<vmem>>
        %dma_wait3A_241 = arith.constant 0 : i32
        %dma_wait3A_242 = arith.constant 0 : i32
        %dma_wait3A_243 = tpu.memref_slice %arg13[%dma_wait3A_241, %dma_wait3A_242] : memref<10240x128xf32, #tpu.memory_space<vmem_shared>> -> memref<10240x128xf32, #tpu.memory_space<vmem_shared>>
        tpu.wait_indirect_dma semaphore(%arg16 : memref<!tpu.dma_semaphore, #tpu.memory_space<semaphore_mem>>) src(%arg12 : memref<32x128xf32, #tpu.memory_space<vmem>>) dst(%dma_wait3A_243 : memref<10240x128xf32, #tpu.memory_space<vmem_shared>>)
      } else {
      }
      %scan3A_188 = arith.constant 0 : i32
      %scan3A_189 = arith.constant 0 : i32
      %scan3A_190 = arith.constant 32 : i32
      %scan3A_191 = arith.addi %scan3A_189, %scan3A_190 : i32
      %scan3A_192 = arith.constant 1 : i32
      %scan3A_193 = scf.for %scan3A_236 = %scan3A_189 to %scan3A_191 step %scan3A_192 iter_args(%scan3A_237 = %scan3A_188) -> (i32)  : i32 {
        %mul3A_238 = arith.constant 32 : i32
        %mul3A_239 = arith.muli %mul3A_171, %mul3A_238 : i32
        %add3A_240 = arith.addi %mul3A_239, %scan3A_236 : i32
        %broadcast_in_dim3A = vector.broadcast %add3A_240 : i32 to vector<16xi32>
        %gather3A = tpu.vector_load_idx %arg9[%broadcast_in_dim3A] : memref<10048xf32, #tpu.memory_space<vmem>>[vector<16xi32>], vector<16xf32>,
        %get3A = arith.index_cast %scan3A_236 : i32 to index
        %get3A_241 = arith.constant 0 : index
        %get3A_242 = tpu.vector_load %arg10[%get3A, %get3A_241] {strides = array<i32>} : memref<32x128xf32, #tpu.memory_space<vmem>>, vector<16xf32>,
        %mul3A_243 = arith.mulf %get3A_242, %gather3A : vector<16xf32>
        %swap3A = arith.index_cast %scan3A_236 : i32 to index
        %swap3A_244 = arith.constant 0 : index
        %swap3A_245 = tpu.vector_load %arg12[%swap3A, %swap3A_244] {strides = array<i32>} : memref<32x128xf32, #tpu.memory_space<vmem>>, vector<16xf32>,
        tpu.vector_store %arg12[%swap3A, %swap3A_244], %mul3A_243 {strides = array<i32>} : memref<32x128xf32, #tpu.memory_space<vmem>>, vector<16xf32>,
        %get3A_246 = arith.index_cast %scan3A_236 : i32 to index
        %get3A_247 = arith.constant 16 : index
        %get3A_248 = tpu.vector_load %arg10[%get3A_246, %get3A_247] {strides = array<i32>} : memref<32x128xf32, #tpu.memory_space<vmem>>, vector<16xf32>,
        %mul3A_249 = arith.mulf %get3A_248, %gather3A : vector<16xf32>
        %swap3A_250 = arith.index_cast %scan3A_236 : i32 to index
        %swap3A_251 = arith.constant 16 : index
        %swap3A_252 = tpu.vector_load %arg12[%swap3A_250, %swap3A_251] {strides = array<i32>} : memref<32x128xf32, #tpu.memory_space<vmem>>, vector<16xf32>,
        tpu.vector_store %arg12[%swap3A_250, %swap3A_251], %mul3A_249 {strides = array<i32>} : memref<32x128xf32, #tpu.memory_space<vmem>>, vector<16xf32>,
        %get3A_253 = arith.index_cast %scan3A_236 : i32 to index
        %get3A_254 = arith.constant 32 : index
        %get3A_255 = tpu.vector_load %arg10[%get3A_253, %get3A_254] {strides = array<i32>} : memref<32x128xf32, #tpu.memory_space<vmem>>, vector<16xf32>,
        %mul3A_256 = arith.mulf %get3A_255, %gather3A : vector<16xf32>
        %swap3A_257 = arith.index_cast %scan3A_236 : i32 to index
        %swap3A_258 = arith.constant 32 : index
        %swap3A_259 = tpu.vector_load %arg12[%swap3A_257, %swap3A_258] {strides = array<i32>} : memref<32x128xf32, #tpu.memory_space<vmem>>, vector<16xf32>,
        tpu.vector_store %arg12[%swap3A_257, %swap3A_258], %mul3A_256 {strides = array<i32>} : memref<32x128xf32, #tpu.memory_space<vmem>>, vector<16xf32>,
        %get3A_260 = arith.index_cast %scan3A_236 : i32 to index
        %get3A_261 = arith.constant 48 : index
        %get3A_262 = tpu.vector_load %arg10[%get3A_260, %get3A_261] {strides = array<i32>} : memref<32x128xf32, #tpu.memory_space<vmem>>, vector<16xf32>,
        %mul3A_263 = arith.mulf %get3A_262, %gather3A : vector<16xf32>
        %swap3A_264 = arith.index_cast %scan3A_236 : i32 to index
        %swap3A_265 = arith.constant 48 : index
        %swap3A_266 = tpu.vector_load %arg12[%swap3A_264, %swap3A_265] {strides = array<i32>} : memref<32x128xf32, #tpu.memory_space<vmem>>, vector<16xf32>,
        tpu.vector_store %arg12[%swap3A_264, %swap3A_265], %mul3A_263 {strides = array<i32>} : memref<32x128xf32, #tpu.memory_space<vmem>>, vector<16xf32>,
        %get3A_267 = arith.index_cast %scan3A_236 : i32 to index
        %get3A_268 = arith.constant 64 : index
        %get3A_269 = tpu.vector_load %arg10[%get3A_267, %get3A_268] {strides = array<i32>} : memref<32x128xf32, #tpu.memory_space<vmem>>, vector<16xf32>,
        %mul3A_270 = arith.mulf %get3A_269, %gather3A : vector<16xf32>
        %swap3A_271 = arith.index_cast %scan3A_236 : i32 to index
        %swap3A_272 = arith.constant 64 : index
        %swap3A_273 = tpu.vector_load %arg12[%swap3A_271, %swap3A_272] {strides = array<i32>} : memref<32x128xf32, #tpu.memory_space<vmem>>, vector<16xf32>,
        tpu.vector_store %arg12[%swap3A_271, %swap3A_272], %mul3A_270 {strides = array<i32>} : memref<32x128xf32, #tpu.memory_space<vmem>>, vector<16xf32>,
        %get3A_274 = arith.index_cast %scan3A_236 : i32 to index
        %get3A_275 = arith.constant 80 : index
        %get3A_276 = tpu.vector_load %arg10[%get3A_274, %get3A_275] {strides = array<i32>} : memref<32x128xf32, #tpu.memory_space<vmem>>, vector<16xf32>,
        %mul3A_277 = arith.mulf %get3A_276, %gather3A : vector<16xf32>
        %swap3A_278 = arith.index_cast %scan3A_236 : i32 to index
        %swap3A_279 = arith.constant 80 : index
        %swap3A_280 = tpu.vector_load %arg12[%swap3A_278, %swap3A_279] {strides = array<i32>} : memref<32x128xf32, #tpu.memory_space<vmem>>, vector<16xf32>,
        tpu.vector_store %arg12[%swap3A_278, %swap3A_279], %mul3A_277 {strides = array<i32>} : memref<32x128xf32, #tpu.memory_space<vmem>>, vector<16xf32>,
        %get3A_281 = arith.index_cast %scan3A_236 : i32 to index
        %get3A_282 = arith.constant 96 : index
        %get3A_283 = tpu.vector_load %arg10[%get3A_281, %get3A_282] {strides = array<i32>} : memref<32x128xf32, #tpu.memory_space<vmem>>, vector<16xf32>,
        %mul3A_284 = arith.mulf %get3A_283, %gather3A : vector<16xf32>
        %swap3A_285 = arith.index_cast %scan3A_236 : i32 to index
        %swap3A_286 = arith.constant 96 : index
        %swap3A_287 = tpu.vector_load %arg12[%swap3A_285, %swap3A_286] {strides = array<i32>} : memref<32x128xf32, #tpu.memory_space<vmem>>, vector<16xf32>,
        tpu.vector_store %arg12[%swap3A_285, %swap3A_286], %mul3A_284 {strides = array<i32>} : memref<32x128xf32, #tpu.memory_space<vmem>>, vector<16xf32>,
        %get3A_288 = arith.index_cast %scan3A_236 : i32 to index
        %get3A_289 = arith.constant 112 : index
        %get3A_290 = tpu.vector_load %arg10[%get3A_288, %get3A_289] {strides = array<i32>} : memref<32x128xf32, #tpu.memory_space<vmem>>, vector<16xf32>,
        %mul3A_291 = arith.mulf %get3A_290, %gather3A : vector<16xf32>
        %swap3A_292 = arith.index_cast %scan3A_236 : i32 to index
        %swap3A_293 = arith.constant 112 : index
        %swap3A_294 = tpu.vector_load %arg12[%swap3A_292, %swap3A_293] {strides = array<i32>} : memref<32x128xf32, #tpu.memory_space<vmem>>, vector<16xf32>,
        tpu.vector_store %arg12[%swap3A_292, %swap3A_293], %mul3A_291 {strides = array<i32>} : memref<32x128xf32, #tpu.memory_space<vmem>>, vector<16xf32>,
        %scan3A_295 = arith.constant 0 : i32
        scf.yield %scan3A_295 : i32
      }
      %scan3A_194 = arith.constant 32 : i32
      %mul3A_195 = arith.constant 32 : i32
      %mul3A_196 = arith.muli %mul3A_171, %mul3A_195 : i32
      %dma_start3A_197 = tpu.memref_slice %arg8[%mul3A_196] : memref<10048xi32, #tpu.memory_space<vmem>> -> memref<32xi32, #tpu.memory_space<vmem>>
      %dma_start3A_198 = arith.constant 0 : i32
      %dma_start3A_199 = arith.constant 0 : i32
      %dma_start3A_200 = tpu.memref_slice %arg13[%dma_start3A_198, %dma_start3A_199] : memref<10240x128xf32, #tpu.memory_space<vmem_shared>> -> memref<10240x128xf32, #tpu.memory_space<vmem_shared>>
      tpu.enqueue_indirect_dma source(%arg12 : memref<32x128xf32, #tpu.memory_space<vmem>>) target(%dma_start3A_200 : memref<10240x128xf32, #tpu.memory_space<vmem_shared>>) offsets(%dma_start3A_197 : memref<32xi32, #tpu.memory_space<vmem>>) semaphore(%arg16 : memref<!tpu.dma_semaphore, #tpu.memory_space<semaphore_mem>>) {add = true}
      %mul3A_201 = arith.constant 2 : i32
      %mul3A_202 = arith.muli %mul3A_201, %while3A_168 : i32
      %add3A_203 = arith.constant 1 : i32
      %add3A_204 = arith.addi %mul3A_202, %add3A_203 : i32
      %add3A_205 = arith.constant 1 : i32
      %add3A_206 = arith.addi %add3A_204, %add3A_205 : i32
      %lt3A_207 = arith.cmpi slt, %add3A_206, %select_n3A : i32
      %convert_element_type3A_208 = arith.extui %lt3A_207 : i1 to i32
      %cond3A_209 = arith.constant 0 : i32
      %cond3A_210 = arith.cmpi ne, %convert_element_type3A_208, %cond3A_209 : i32
      scf.if %cond3A_210 {
        %add3A_236 = arith.constant 1 : i32
        %add3A_237 = arith.addi %add3A_204, %add3A_236 : i32
        %mul3A_238 = arith.constant 32 : i32
        %mul3A_239 = arith.muli %add3A_237, %mul3A_238 : i32
        %dma_start3A_240 = tpu.memref_slice %arg7[%mul3A_239] : memref<10048xi32, #tpu.memory_space<vmem>> -> memref<32xi32, #tpu.memory_space<vmem>>
        %dma_start3A_241 = arith.constant 0 : i32
        %dma_start3A_242 = arith.constant 0 : i32
        %dma_start3A_243 = tpu.memref_slice %arg2[%dma_start3A_241, %dma_start3A_242] : memref<10000x128xf32, #tpu.memory_space<hbm>> -> memref<10000x128xf32, #tpu.memory_space<hbm>>
        tpu.enqueue_indirect_dma source(%dma_start3A_243 : memref<10000x128xf32, #tpu.memory_space<hbm>>) target(%arg10 : memref<32x128xf32, #tpu.memory_space<vmem>>) offsets(%dma_start3A_240 : memref<32xi32, #tpu.memory_space<vmem>>) semaphore(%arg14 : memref<!tpu.dma_semaphore, #tpu.memory_space<semaphore_mem>>)
      } else {
      }
      %mul3A_211 = arith.constant 32 : i32
      %mul3A_212 = arith.muli %add3A_204, %mul3A_211 : i32
      %dma_wait3A_213 = tpu.memref_slice %arg7[%mul3A_212] : memref<10048xi32, #tpu.memory_space<vmem>> -> memref<32xi32, #tpu.memory_space<vmem>>
      %dma_wait3A_214 = arith.constant 0 : i32
      %dma_wait3A_215 = arith.constant 0 : i32
      %dma_wait3A_216 = tpu.memref_slice %arg2[%dma_wait3A_214, %dma_wait3A_215] : memref<10000x128xf32, #tpu.memory_space<hbm>> -> memref<10000x128xf32, #tpu.memory_space<hbm>>
      tpu.wait_indirect_dma semaphore(%arg15 : memref<!tpu.dma_semaphore, #tpu.memory_space<semaphore_mem>>) src(%dma_wait3A_216 : memref<10000x128xf32, #tpu.memory_space<hbm>>) dst(%arg11 : memref<32x128xf32, #tpu.memory_space<vmem>>)
      %ge3A_217 = arith.constant 1 : i32
      %ge3A_218 = arith.cmpi sge, %add3A_204, %ge3A_217 : i32
      %convert_element_type3A_219 = arith.extui %ge3A_218 : i1 to i32
      %cond3A_220 = arith.constant 0 : i32
      %cond3A_221 = arith.cmpi ne, %convert_element_type3A_219, %cond3A_220 : i32
      scf.if %cond3A_221 {
        %sub3A_236 = arith.constant 1 : i32
        %sub3A_237 = arith.subi %add3A_204, %sub3A_236 : i32
        %mul3A_238 = arith.constant 32 : i32
        %mul3A_239 = arith.muli %sub3A_237, %mul3A_238 : i32
        %dma_wait3A_240 = tpu.memref_slice %arg8[%mul3A_239] : memref<10048xi32, #tpu.memory_space<vmem>> -> memref<32xi32, #tpu.memory_space<vmem>>
        %dma_wait3A_241 = arith.constant 0 : i32
        %dma_wait3A_242 = arith.constant 0 : i32
        %dma_wait3A_243 = tpu.memref_slice %arg13[%dma_wait3A_241, %dma_wait3A_242] : memref<10240x128xf32, #tpu.memory_space<vmem_shared>> -> memref<10240x128xf32, #tpu.memory_space<vmem_shared>>
        tpu.wait_indirect_dma semaphore(%arg16 : memref<!tpu.dma_semaphore, #tpu.memory_space<semaphore_mem>>) src(%arg12 : memref<32x128xf32, #tpu.memory_space<vmem>>) dst(%dma_wait3A_243 : memref<10240x128xf32, #tpu.memory_space<vmem_shared>>)
      } else {
      }
      %scan3A_222 = arith.constant 0 : i32
      %scan3A_223 = arith.constant 0 : i32
      %scan3A_224 = arith.constant 32 : i32
      %scan3A_225 = arith.addi %scan3A_223, %scan3A_224 : i32
      %scan3A_226 = arith.constant 1 : i32
      %scan3A_227 = scf.for %scan3A_236 = %scan3A_223 to %scan3A_225 step %scan3A_226 iter_args(%scan3A_237 = %scan3A_222) -> (i32)  : i32 {
        %mul3A_238 = arith.constant 32 : i32
        %mul3A_239 = arith.muli %add3A_204, %mul3A_238 : i32
        %add3A_240 = arith.addi %mul3A_239, %scan3A_236 : i32
        %broadcast_in_dim3A = vector.broadcast %add3A_240 : i32 to vector<16xi32>
        %gather3A = tpu.vector_load_idx %arg9[%broadcast_in_dim3A] : memref<10048xf32, #tpu.memory_space<vmem>>[vector<16xi32>], vector<16xf32>,
        %get3A = arith.index_cast %scan3A_236 : i32 to index
        %get3A_241 = arith.constant 0 : index
        %get3A_242 = tpu.vector_load %arg11[%get3A, %get3A_241] {strides = array<i32>} : memref<32x128xf32, #tpu.memory_space<vmem>>, vector<16xf32>,
        %mul3A_243 = arith.mulf %get3A_242, %gather3A : vector<16xf32>
        %swap3A = arith.index_cast %scan3A_236 : i32 to index
        %swap3A_244 = arith.constant 0 : index
        %swap3A_245 = tpu.vector_load %arg12[%swap3A, %swap3A_244] {strides = array<i32>} : memref<32x128xf32, #tpu.memory_space<vmem>>, vector<16xf32>,
        tpu.vector_store %arg12[%swap3A, %swap3A_244], %mul3A_243 {strides = array<i32>} : memref<32x128xf32, #tpu.memory_space<vmem>>, vector<16xf32>,
        %get3A_246 = arith.index_cast %scan3A_236 : i32 to index
        %get3A_247 = arith.constant 16 : index
        %get3A_248 = tpu.vector_load %arg11[%get3A_246, %get3A_247] {strides = array<i32>} : memref<32x128xf32, #tpu.memory_space<vmem>>, vector<16xf32>,
        %mul3A_249 = arith.mulf %get3A_248, %gather3A : vector<16xf32>
        %swap3A_250 = arith.index_cast %scan3A_236 : i32 to index
        %swap3A_251 = arith.constant 16 : index
        %swap3A_252 = tpu.vector_load %arg12[%swap3A_250, %swap3A_251] {strides = array<i32>} : memref<32x128xf32, #tpu.memory_space<vmem>>, vector<16xf32>,
        tpu.vector_store %arg12[%swap3A_250, %swap3A_251], %mul3A_249 {strides = array<i32>} : memref<32x128xf32, #tpu.memory_space<vmem>>, vector<16xf32>,
        %get3A_253 = arith.index_cast %scan3A_236 : i32 to index
        %get3A_254 = arith.constant 32 : index
        %get3A_255 = tpu.vector_load %arg11[%get3A_253, %get3A_254] {strides = array<i32>} : memref<32x128xf32, #tpu.memory_space<vmem>>, vector<16xf32>,
        %mul3A_256 = arith.mulf %get3A_255, %gather3A : vector<16xf32>
        %swap3A_257 = arith.index_cast %scan3A_236 : i32 to index
        %swap3A_258 = arith.constant 32 : index
        %swap3A_259 = tpu.vector_load %arg12[%swap3A_257, %swap3A_258] {strides = array<i32>} : memref<32x128xf32, #tpu.memory_space<vmem>>, vector<16xf32>,
        tpu.vector_store %arg12[%swap3A_257, %swap3A_258], %mul3A_256 {strides = array<i32>} : memref<32x128xf32, #tpu.memory_space<vmem>>, vector<16xf32>,
        %get3A_260 = arith.index_cast %scan3A_236 : i32 to index
        %get3A_261 = arith.constant 48 : index
        %get3A_262 = tpu.vector_load %arg11[%get3A_260, %get3A_261] {strides = array<i32>} : memref<32x128xf32, #tpu.memory_space<vmem>>, vector<16xf32>,
        %mul3A_263 = arith.mulf %get3A_262, %gather3A : vector<16xf32>
        %swap3A_264 = arith.index_cast %scan3A_236 : i32 to index
        %swap3A_265 = arith.constant 48 : index
        %swap3A_266 = tpu.vector_load %arg12[%swap3A_264, %swap3A_265] {strides = array<i32>} : memref<32x128xf32, #tpu.memory_space<vmem>>, vector<16xf32>,
        tpu.vector_store %arg12[%swap3A_264, %swap3A_265], %mul3A_263 {strides = array<i32>} : memref<32x128xf32, #tpu.memory_space<vmem>>, vector<16xf32>,
        %get3A_267 = arith.index_cast %scan3A_236 : i32 to index
        %get3A_268 = arith.constant 64 : index
        %get3A_269 = tpu.vector_load %arg11[%get3A_267, %get3A_268] {strides = array<i32>} : memref<32x128xf32, #tpu.memory_space<vmem>>, vector<16xf32>,
        %mul3A_270 = arith.mulf %get3A_269, %gather3A : vector<16xf32>
        %swap3A_271 = arith.index_cast %scan3A_236 : i32 to index
        %swap3A_272 = arith.constant 64 : index
        %swap3A_273 = tpu.vector_load %arg12[%swap3A_271, %swap3A_272] {strides = array<i32>} : memref<32x128xf32, #tpu.memory_space<vmem>>, vector<16xf32>,
        tpu.vector_store %arg12[%swap3A_271, %swap3A_272], %mul3A_270 {strides = array<i32>} : memref<32x128xf32, #tpu.memory_space<vmem>>, vector<16xf32>,
        %get3A_274 = arith.index_cast %scan3A_236 : i32 to index
        %get3A_275 = arith.constant 80 : index
        %get3A_276 = tpu.vector_load %arg11[%get3A_274, %get3A_275] {strides = array<i32>} : memref<32x128xf32, #tpu.memory_space<vmem>>, vector<16xf32>,
        %mul3A_277 = arith.mulf %get3A_276, %gather3A : vector<16xf32>
        %swap3A_278 = arith.index_cast %scan3A_236 : i32 to index
        %swap3A_279 = arith.constant 80 : index
        %swap3A_280 = tpu.vector_load %arg12[%swap3A_278, %swap3A_279] {strides = array<i32>} : memref<32x128xf32, #tpu.memory_space<vmem>>, vector<16xf32>,
        tpu.vector_store %arg12[%swap3A_278, %swap3A_279], %mul3A_277 {strides = array<i32>} : memref<32x128xf32, #tpu.memory_space<vmem>>, vector<16xf32>,
        %get3A_281 = arith.index_cast %scan3A_236 : i32 to index
        %get3A_282 = arith.constant 96 : index
        %get3A_283 = tpu.vector_load %arg11[%get3A_281, %get3A_282] {strides = array<i32>} : memref<32x128xf32, #tpu.memory_space<vmem>>, vector<16xf32>,
        %mul3A_284 = arith.mulf %get3A_283, %gather3A : vector<16xf32>
        %swap3A_285 = arith.index_cast %scan3A_236 : i32 to index
        %swap3A_286 = arith.constant 96 : index
        %swap3A_287 = tpu.vector_load %arg12[%swap3A_285, %swap3A_286] {strides = array<i32>} : memref<32x128xf32, #tpu.memory_space<vmem>>, vector<16xf32>,
        tpu.vector_store %arg12[%swap3A_285, %swap3A_286], %mul3A_284 {strides = array<i32>} : memref<32x128xf32, #tpu.memory_space<vmem>>, vector<16xf32>,
        %get3A_288 = arith.index_cast %scan3A_236 : i32 to index
        %get3A_289 = arith.constant 112 : index
        %get3A_290 = tpu.vector_load %arg11[%get3A_288, %get3A_289] {strides = array<i32>} : memref<32x128xf32, #tpu.memory_space<vmem>>, vector<16xf32>,
        %mul3A_291 = arith.mulf %get3A_290, %gather3A : vector<16xf32>
        %swap3A_292 = arith.index_cast %scan3A_236 : i32 to index
        %swap3A_293 = arith.constant 112 : index
        %swap3A_294 = tpu.vector_load %arg12[%swap3A_292, %swap3A_293] {strides = array<i32>} : memref<32x128xf32, #tpu.memory_space<vmem>>, vector<16xf32>,
        tpu.vector_store %arg12[%swap3A_292, %swap3A_293], %mul3A_291 {strides = array<i32>} : memref<32x128xf32, #tpu.memory_space<vmem>>, vector<16xf32>,
        %scan3A_295 = arith.constant 0 : i32
        scf.yield %scan3A_295 : i32
      }
      %scan3A_228 = arith.constant 32 : i32
      %mul3A_229 = arith.constant 32 : i32
      %mul3A_230 = arith.muli %add3A_204, %mul3A_229 : i32
      %dma_start3A_231 = tpu.memref_slice %arg8[%mul3A_230] : memref<10048xi32, #tpu.memory_space<vmem>> -> memref<32xi32, #tpu.memory_space<vmem>>
      %dma_start3A_232 = arith.constant 0 : i32
      %dma_start3A_233 = arith.constant 0 : i32
      %dma_start3A_234 = tpu.memref_slice %arg13[%dma_start3A_232, %dma_start3A_233] : memref<10240x128xf32, #tpu.memory_space<vmem_shared>> -> memref<10240x128xf32, #tpu.memory_space<vmem_shared>>
      tpu.enqueue_indirect_dma source(%arg12 : memref<32x128xf32, #tpu.memory_space<vmem>>) target(%dma_start3A_234 : memref<10240x128xf32, #tpu.memory_space<vmem_shared>>) offsets(%dma_start3A_231 : memref<32xi32, #tpu.memory_space<vmem>>) semaphore(%arg16 : memref<!tpu.dma_semaphore, #tpu.memory_space<semaphore_mem>>) {add = true}
      %while3A_235 = arith.constant 0 : i32
      scf.yield %while3A_235 : i32
    }
    %while3A_134 = arith.constant 1 : i32
    %while3A_135 = scf.for %while3A_168 = %while3A_131 to %while3A_127 step %while3A_134 iter_args(%while3A_169 = %while3A_133) -> (i32)  : i32 {
      %mul3A_170 = arith.constant 2 : i32
      %mul3A_171 = arith.muli %mul3A_170, %while3A_168 : i32
      %add3A_172 = arith.constant 1 : i32
      %add3A_173 = arith.addi %mul3A_171, %add3A_172 : i32
      %lt3A_174 = arith.cmpi slt, %add3A_173, %select_n3A : i32
      %convert_element_type3A_175 = arith.extui %lt3A_174 : i1 to i32
      %cond3A_176 = arith.constant 0 : i32
      %cond3A_177 = arith.cmpi ne, %convert_element_type3A_175, %cond3A_176 : i32
      scf.if %cond3A_177 {
        %add3A_236 = arith.constant 1 : i32
        %add3A_237 = arith.addi %mul3A_171, %add3A_236 : i32
        %mul3A_238 = arith.constant 32 : i32
        %mul3A_239 = arith.muli %add3A_237, %mul3A_238 : i32
        %dma_start3A_240 = tpu.memref_slice %arg7[%mul3A_239] : memref<10048xi32, #tpu.memory_space<vmem>> -> memref<32xi32, #tpu.memory_space<vmem>>
        %dma_start3A_241 = arith.constant 0 : i32
        %dma_start3A_242 = arith.constant 0 : i32
        %dma_start3A_243 = tpu.memref_slice %arg2[%dma_start3A_241, %dma_start3A_242] : memref<10000x128xf32, #tpu.memory_space<hbm>> -> memref<10000x128xf32, #tpu.memory_space<hbm>>
        tpu.enqueue_indirect_dma source(%dma_start3A_243 : memref<10000x128xf32, #tpu.memory_space<hbm>>) target(%arg11 : memref<32x128xf32, #tpu.memory_space<vmem>>) offsets(%dma_start3A_240 : memref<32xi32, #tpu.memory_space<vmem>>) semaphore(%arg15 : memref<!tpu.dma_semaphore, #tpu.memory_space<semaphore_mem>>)
      } else {
      }
      %mul3A_178 = arith.constant 32 : i32
      %mul3A_179 = arith.muli %mul3A_171, %mul3A_178 : i32
      %dma_wait3A_180 = tpu.memref_slice %arg7[%mul3A_179] : memref<10048xi32, #tpu.memory_space<vmem>> -> memref<32xi32, #tpu.memory_space<vmem>>
      %dma_wait3A_181 = arith.constant 0 : i32
      %dma_wait3A_182 = arith.constant 0 : i32
      %dma_wait3A_183 = tpu.memref_slice %arg2[%dma_wait3A_181, %dma_wait3A_182] : memref<10000x128xf32, #tpu.memory_space<hbm>> -> memref<10000x128xf32, #tpu.memory_space<hbm>>
      tpu.wait_indirect_dma semaphore(%arg14 : memref<!tpu.dma_semaphore, #tpu.memory_space<semaphore_mem>>) src(%dma_wait3A_183 : memref<10000x128xf32, #tpu.memory_space<hbm>>) dst(%arg10 : memref<32x128xf32, #tpu.memory_space<vmem>>)
      %ge3A = arith.constant 1 : i32
      %ge3A_184 = arith.cmpi sge, %mul3A_171, %ge3A : i32
      %convert_element_type3A_185 = arith.extui %ge3A_184 : i1 to i32
      %cond3A_186 = arith.constant 0 : i32
      %cond3A_187 = arith.cmpi ne, %convert_element_type3A_185, %cond3A_186 : i32
      scf.if %cond3A_187 {
        %sub3A_236 = arith.constant 1 : i32
        %sub3A_237 = arith.subi %mul3A_171, %sub3A_236 : i32
        %mul3A_238 = arith.constant 32 : i32
        %mul3A_239 = arith.muli %sub3A_237, %mul3A_238 : i32
        %dma_wait3A_240 = tpu.memref_slice %arg8[%mul3A_239] : memref<10048xi32, #tpu.memory_space<vmem>> -> memref<32xi32, #tpu.memory_space<vmem>>
        %dma_wait3A_241 = arith.constant 0 : i32
        %dma_wait3A_242 = arith.constant 0 : i32
        %dma_wait3A_243 = tpu.memref_slice %arg13[%dma_wait3A_241, %dma_wait3A_242] : memref<10240x128xf32, #tpu.memory_space<vmem_shared>> -> memref<10240x128xf32, #tpu.memory_space<vmem_shared>>
        tpu.wait_indirect_dma semaphore(%arg16 : memref<!tpu.dma_semaphore, #tpu.memory_space<semaphore_mem>>) src(%arg12 : memref<32x128xf32, #tpu.memory_space<vmem>>) dst(%dma_wait3A_243 : memref<10240x128xf32, #tpu.memory_space<vmem_shared>>)
      } else {
      }
      %scan3A_188 = arith.constant 0 : i32
      %scan3A_189 = arith.constant 0 : i32
      %scan3A_190 = arith.constant 32 : i32
      %scan3A_191 = arith.addi %scan3A_189, %scan3A_190 : i32
      %scan3A_192 = arith.constant 1 : i32
      %scan3A_193 = scf.for %scan3A_236 = %scan3A_189 to %scan3A_191 step %scan3A_192 iter_args(%scan3A_237 = %scan3A_188) -> (i32)  : i32 {
        %mul3A_238 = arith.constant 32 : i32
        %mul3A_239 = arith.muli %mul3A_171, %mul3A_238 : i32
        %add3A_240 = arith.addi %mul3A_239, %scan3A_236 : i32
        %broadcast_in_dim3A = vector.broadcast %add3A_240 : i32 to vector<16xi32>
        %gather3A = tpu.vector_load_idx %arg9[%broadcast_in_dim3A] : memref<10048xf32, #tpu.memory_space<vmem>>[vector<16xi32>], vector<16xf32>,
        %get3A = arith.index_cast %scan3A_236 : i32 to index
        %get3A_241 = arith.constant 0 : index
        %get3A_242 = tpu.vector_load %arg10[%get3A, %get3A_241] {strides = array<i32>} : memref<32x128xf32, #tpu.memory_space<vmem>>, vector<16xf32>,
        %mul3A_243 = arith.mulf %get3A_242, %gather3A : vector<16xf32>
        %swap3A = arith.index_cast %scan3A_236 : i32 to index
        %swap3A_244 = arith.constant 0 : index
        %swap3A_245 = tpu.vector_load %arg12[%swap3A, %swap3A_244] {strides = array<i32>} : memref<32x128xf32, #tpu.memory_space<vmem>>, vector<16xf32>,
        tpu.vector_store %arg12[%swap3A, %swap3A_244], %mul3A_243 {strides = array<i32>} : memref<32x128xf32, #tpu.memory_space<vmem>>, vector<16xf32>,
        %get3A_246 = arith.index_cast %scan3A_236 : i32 to index
        %get3A_247 = arith.constant 16 : index
        %get3A_248 = tpu.vector_load %arg10[%get3A_246, %get3A_247] {strides = array<i32>} : memref<32x128xf32, #tpu.memory_space<vmem>>, vector<16xf32>,
        %mul3A_249 = arith.mulf %get3A_248, %gather3A : vector<16xf32>
        %swap3A_250 = arith.index_cast %scan3A_236 : i32 to index
        %swap3A_251 = arith.constant 16 : index
        %swap3A_252 = tpu.vector_load %arg12[%swap3A_250, %swap3A_251] {strides = array<i32>} : memref<32x128xf32, #tpu.memory_space<vmem>>, vector<16xf32>,
        tpu.vector_store %arg12[%swap3A_250, %swap3A_251], %mul3A_249 {strides = array<i32>} : memref<32x128xf32, #tpu.memory_space<vmem>>, vector<16xf32>,
        %get3A_253 = arith.index_cast %scan3A_236 : i32 to index
        %get3A_254 = arith.constant 32 : index
        %get3A_255 = tpu.vector_load %arg10[%get3A_253, %get3A_254] {strides = array<i32>} : memref<32x128xf32, #tpu.memory_space<vmem>>, vector<16xf32>,
        %mul3A_256 = arith.mulf %get3A_255, %gather3A : vector<16xf32>
        %swap3A_257 = arith.index_cast %scan3A_236 : i32 to index
        %swap3A_258 = arith.constant 32 : index
        %swap3A_259 = tpu.vector_load %arg12[%swap3A_257, %swap3A_258] {strides = array<i32>} : memref<32x128xf32, #tpu.memory_space<vmem>>, vector<16xf32>,
        tpu.vector_store %arg12[%swap3A_257, %swap3A_258], %mul3A_256 {strides = array<i32>} : memref<32x128xf32, #tpu.memory_space<vmem>>, vector<16xf32>,
        %get3A_260 = arith.index_cast %scan3A_236 : i32 to index
        %get3A_261 = arith.constant 48 : index
        %get3A_262 = tpu.vector_load %arg10[%get3A_260, %get3A_261] {strides = array<i32>} : memref<32x128xf32, #tpu.memory_space<vmem>>, vector<16xf32>,
        %mul3A_263 = arith.mulf %get3A_262, %gather3A : vector<16xf32>
        %swap3A_264 = arith.index_cast %scan3A_236 : i32 to index
        %swap3A_265 = arith.constant 48 : index
        %swap3A_266 = tpu.vector_load %arg12[%swap3A_264, %swap3A_265] {strides = array<i32>} : memref<32x128xf32, #tpu.memory_space<vmem>>, vector<16xf32>,
        tpu.vector_store %arg12[%swap3A_264, %swap3A_265], %mul3A_263 {strides = array<i32>} : memref<32x128xf32, #tpu.memory_space<vmem>>, vector<16xf32>,
        %get3A_267 = arith.index_cast %scan3A_236 : i32 to index
        %get3A_268 = arith.constant 64 : index
        %get3A_269 = tpu.vector_load %arg10[%get3A_267, %get3A_268] {strides = array<i32>} : memref<32x128xf32, #tpu.memory_space<vmem>>, vector<16xf32>,
        %mul3A_270 = arith.mulf %get3A_269, %gather3A : vector<16xf32>
        %swap3A_271 = arith.index_cast %scan3A_236 : i32 to index
        %swap3A_272 = arith.constant 64 : index
        %swap3A_273 = tpu.vector_load %arg12[%swap3A_271, %swap3A_272] {strides = array<i32>} : memref<32x128xf32, #tpu.memory_space<vmem>>, vector<16xf32>,
        tpu.vector_store %arg12[%swap3A_271, %swap3A_272], %mul3A_270 {strides = array<i32>} : memref<32x128xf32, #tpu.memory_space<vmem>>, vector<16xf32>,
        %get3A_274 = arith.index_cast %scan3A_236 : i32 to index
        %get3A_275 = arith.constant 80 : index
        %get3A_276 = tpu.vector_load %arg10[%get3A_274, %get3A_275] {strides = array<i32>} : memref<32x128xf32, #tpu.memory_space<vmem>>, vector<16xf32>,
        %mul3A_277 = arith.mulf %get3A_276, %gather3A : vector<16xf32>
        %swap3A_278 = arith.index_cast %scan3A_236 : i32 to index
        %swap3A_279 = arith.constant 80 : index
        %swap3A_280 = tpu.vector_load %arg12[%swap3A_278, %swap3A_279] {strides = array<i32>} : memref<32x128xf32, #tpu.memory_space<vmem>>, vector<16xf32>,
        tpu.vector_store %arg12[%swap3A_278, %swap3A_279], %mul3A_277 {strides = array<i32>} : memref<32x128xf32, #tpu.memory_space<vmem>>, vector<16xf32>,
        %get3A_281 = arith.index_cast %scan3A_236 : i32 to index
        %get3A_282 = arith.constant 96 : index
        %get3A_283 = tpu.vector_load %arg10[%get3A_281, %get3A_282] {strides = array<i32>} : memref<32x128xf32, #tpu.memory_space<vmem>>, vector<16xf32>,
        %mul3A_284 = arith.mulf %get3A_283, %gather3A : vector<16xf32>
        %swap3A_285 = arith.index_cast %scan3A_236 : i32 to index
        %swap3A_286 = arith.constant 96 : index
        %swap3A_287 = tpu.vector_load %arg12[%swap3A_285, %swap3A_286] {strides = array<i32>} : memref<32x128xf32, #tpu.memory_space<vmem>>, vector<16xf32>,
        tpu.vector_store %arg12[%swap3A_285, %swap3A_286], %mul3A_284 {strides = array<i32>} : memref<32x128xf32, #tpu.memory_space<vmem>>, vector<16xf32>,
        %get3A_288 = arith.index_cast %scan3A_236 : i32 to index
        %get3A_289 = arith.constant 112 : index
        %get3A_290 = tpu.vector_load %arg10[%get3A_288, %get3A_289] {strides = array<i32>} : memref<32x128xf32, #tpu.memory_space<vmem>>, vector<16xf32>,
        %mul3A_291 = arith.mulf %get3A_290, %gather3A : vector<16xf32>
        %swap3A_292 = arith.index_cast %scan3A_236 : i32 to index
        %swap3A_293 = arith.constant 112 : index
        %swap3A_294 = tpu.vector_load %arg12[%swap3A_292, %swap3A_293] {strides = array<i32>} : memref<32x128xf32, #tpu.memory_space<vmem>>, vector<16xf32>,
        tpu.vector_store %arg12[%swap3A_292, %swap3A_293], %mul3A_291 {strides = array<i32>} : memref<32x128xf32, #tpu.memory_space<vmem>>, vector<16xf32>,
        %scan3A_295 = arith.constant 0 : i32
        scf.yield %scan3A_295 : i32
      }
      %scan3A_194 = arith.constant 32 : i32
      %mul3A_195 = arith.constant 32 : i32
      %mul3A_196 = arith.muli %mul3A_171, %mul3A_195 : i32
      %dma_start3A_197 = tpu.memref_slice %arg8[%mul3A_196] : memref<10048xi32, #tpu.memory_space<vmem>> -> memref<32xi32, #tpu.memory_space<vmem>>
      %dma_start3A_198 = arith.constant 0 : i32
      %dma_start3A_199 = arith.constant 0 : i32
      %dma_start3A_200 = tpu.memref_slice %arg13[%dma_start3A_198, %dma_start3A_199] : memref<10240x128xf32, #tpu.memory_space<vmem_shared>> -> memref<10240x128xf32, #tpu.memory_space<vmem_shared>>
      tpu.enqueue_indirect_dma source(%arg12 : memref<32x128xf32, #tpu.memory_space<vmem>>) target(%dma_start3A_200 : memref<10240x128xf32, #tpu.memory_space<vmem_shared>>) offsets(%dma_start3A_197 : memref<32xi32, #tpu.memory_space<vmem>>) semaphore(%arg16 : memref<!tpu.dma_semaphore, #tpu.memory_space<semaphore_mem>>) {add = true}
      %mul3A_201 = arith.constant 2 : i32
      %mul3A_202 = arith.muli %mul3A_201, %while3A_168 : i32
      %add3A_203 = arith.constant 1 : i32
      %add3A_204 = arith.addi %mul3A_202, %add3A_203 : i32
      %add3A_205 = arith.constant 1 : i32
      %add3A_206 = arith.addi %add3A_204, %add3A_205 : i32
      %lt3A_207 = arith.cmpi slt, %add3A_206, %select_n3A : i32
      %convert_element_type3A_208 = arith.extui %lt3A_207 : i1 to i32
      %cond3A_209 = arith.constant 0 : i32
      %cond3A_210 = arith.cmpi ne, %convert_element_type3A_208, %cond3A_209 : i32
      scf.if %cond3A_210 {
        %add3A_236 = arith.constant 1 : i32
        %add3A_237 = arith.addi %add3A_204, %add3A_236 : i32
        %mul3A_238 = arith.constant 32 : i32
        %mul3A_239 = arith.muli %add3A_237, %mul3A_238 : i32
        %dma_start3A_240 = tpu.memref_slice %arg7[%mul3A_239] : memref<10048xi32, #tpu.memory_space<vmem>> -> memref<32xi32, #tpu.memory_space<vmem>>
        %dma_start3A_241 = arith.constant 0 : i32
        %dma_start3A_242 = arith.constant 0 : i32
        %dma_start3A_243 = tpu.memref_slice %arg2[%dma_start3A_241, %dma_start3A_242] : memref<10000x128xf32, #tpu.memory_space<hbm>> -> memref<10000x128xf32, #tpu.memory_space<hbm>>
        tpu.enqueue_indirect_dma source(%dma_start3A_243 : memref<10000x128xf32, #tpu.memory_space<hbm>>) target(%arg10 : memref<32x128xf32, #tpu.memory_space<vmem>>) offsets(%dma_start3A_240 : memref<32xi32, #tpu.memory_space<vmem>>) semaphore(%arg14 : memref<!tpu.dma_semaphore, #tpu.memory_space<semaphore_mem>>)
      } else {
      }
      %mul3A_211 = arith.constant 32 : i32
      %mul3A_212 = arith.muli %add3A_204, %mul3A_211 : i32
      %dma_wait3A_213 = tpu.memref_slice %arg7[%mul3A_212] : memref<10048xi32, #tpu.memory_space<vmem>> -> memref<32xi32, #tpu.memory_space<vmem>>
      %dma_wait3A_214 = arith.constant 0 : i32
      %dma_wait3A_215 = arith.constant 0 : i32
      %dma_wait3A_216 = tpu.memref_slice %arg2[%dma_wait3A_214, %dma_wait3A_215] : memref<10000x128xf32, #tpu.memory_space<hbm>> -> memref<10000x128xf32, #tpu.memory_space<hbm>>
      tpu.wait_indirect_dma semaphore(%arg15 : memref<!tpu.dma_semaphore, #tpu.memory_space<semaphore_mem>>) src(%dma_wait3A_216 : memref<10000x128xf32, #tpu.memory_space<hbm>>) dst(%arg11 : memref<32x128xf32, #tpu.memory_space<vmem>>)
      %ge3A_217 = arith.constant 1 : i32
      %ge3A_218 = arith.cmpi sge, %add3A_204, %ge3A_217 : i32
      %convert_element_type3A_219 = arith.extui %ge3A_218 : i1 to i32
      %cond3A_220 = arith.constant 0 : i32
      %cond3A_221 = arith.cmpi ne, %convert_element_type3A_219, %cond3A_220 : i32
      scf.if %cond3A_221 {
        %sub3A_236 = arith.constant 1 : i32
        %sub3A_237 = arith.subi %add3A_204, %sub3A_236 : i32
        %mul3A_238 = arith.constant 32 : i32
        %mul3A_239 = arith.muli %sub3A_237, %mul3A_238 : i32
        %dma_wait3A_240 = tpu.memref_slice %arg8[%mul3A_239] : memref<10048xi32, #tpu.memory_space<vmem>> -> memref<32xi32, #tpu.memory_space<vmem>>
        %dma_wait3A_241 = arith.constant 0 : i32
        %dma_wait3A_242 = arith.constant 0 : i32
        %dma_wait3A_243 = tpu.memref_slice %arg13[%dma_wait3A_241, %dma_wait3A_242] : memref<10240x128xf32, #tpu.memory_space<vmem_shared>> -> memref<10240x128xf32, #tpu.memory_space<vmem_shared>>
        tpu.wait_indirect_dma semaphore(%arg16 : memref<!tpu.dma_semaphore, #tpu.memory_space<semaphore_mem>>) src(%arg12 : memref<32x128xf32, #tpu.memory_space<vmem>>) dst(%dma_wait3A_243 : memref<10240x128xf32, #tpu.memory_space<vmem_shared>>)
      } else {
      }
      %scan3A_222 = arith.constant 0 : i32
      %scan3A_223 = arith.constant 0 : i32
      %scan3A_224 = arith.constant 32 : i32
      %scan3A_225 = arith.addi %scan3A_223, %scan3A_224 : i32
      %scan3A_226 = arith.constant 1 : i32
      %scan3A_227 = scf.for %scan3A_236 = %scan3A_223 to %scan3A_225 step %scan3A_226 iter_args(%scan3A_237 = %scan3A_222) -> (i32)  : i32 {
        %mul3A_238 = arith.constant 32 : i32
        %mul3A_239 = arith.muli %add3A_204, %mul3A_238 : i32
        %add3A_240 = arith.addi %mul3A_239, %scan3A_236 : i32
        %broadcast_in_dim3A = vector.broadcast %add3A_240 : i32 to vector<16xi32>
        %gather3A = tpu.vector_load_idx %arg9[%broadcast_in_dim3A] : memref<10048xf32, #tpu.memory_space<vmem>>[vector<16xi32>], vector<16xf32>,
        %get3A = arith.index_cast %scan3A_236 : i32 to index
        %get3A_241 = arith.constant 0 : index
        %get3A_242 = tpu.vector_load %arg11[%get3A, %get3A_241] {strides = array<i32>} : memref<32x128xf32, #tpu.memory_space<vmem>>, vector<16xf32>,
        %mul3A_243 = arith.mulf %get3A_242, %gather3A : vector<16xf32>
        %swap3A = arith.index_cast %scan3A_236 : i32 to index
        %swap3A_244 = arith.constant 0 : index
        %swap3A_245 = tpu.vector_load %arg12[%swap3A, %swap3A_244] {strides = array<i32>} : memref<32x128xf32, #tpu.memory_space<vmem>>, vector<16xf32>,
        tpu.vector_store %arg12[%swap3A, %swap3A_244], %mul3A_243 {strides = array<i32>} : memref<32x128xf32, #tpu.memory_space<vmem>>, vector<16xf32>,
        %get3A_246 = arith.index_cast %scan3A_236 : i32 to index
        %get3A_247 = arith.constant 16 : index
        %get3A_248 = tpu.vector_load %arg11[%get3A_246, %get3A_247] {strides = array<i32>} : memref<32x128xf32, #tpu.memory_space<vmem>>, vector<16xf32>,
        %mul3A_249 = arith.mulf %get3A_248, %gather3A : vector<16xf32>
        %swap3A_250 = arith.index_cast %scan3A_236 : i32 to index
        %swap3A_251 = arith.constant 16 : index
        %swap3A_252 = tpu.vector_load %arg12[%swap3A_250, %swap3A_251] {strides = array<i32>} : memref<32x128xf32, #tpu.memory_space<vmem>>, vector<16xf32>,
        tpu.vector_store %arg12[%swap3A_250, %swap3A_251], %mul3A_249 {strides = array<i32>} : memref<32x128xf32, #tpu.memory_space<vmem>>, vector<16xf32>,
        %get3A_253 = arith.index_cast %scan3A_236 : i32 to index
        %get3A_254 = arith.constant 32 : index
        %get3A_255 = tpu.vector_load %arg11[%get3A_253, %get3A_254] {strides = array<i32>} : memref<32x128xf32, #tpu.memory_space<vmem>>, vector<16xf32>,
        %mul3A_256 = arith.mulf %get3A_255, %gather3A : vector<16xf32>
        %swap3A_257 = arith.index_cast %scan3A_236 : i32 to index
        %swap3A_258 = arith.constant 32 : index
        %swap3A_259 = tpu.vector_load %arg12[%swap3A_257, %swap3A_258] {strides = array<i32>} : memref<32x128xf32, #tpu.memory_space<vmem>>, vector<16xf32>,
        tpu.vector_store %arg12[%swap3A_257, %swap3A_258], %mul3A_256 {strides = array<i32>} : memref<32x128xf32, #tpu.memory_space<vmem>>, vector<16xf32>,
        %get3A_260 = arith.index_cast %scan3A_236 : i32 to index
        %get3A_261 = arith.constant 48 : index
        %get3A_262 = tpu.vector_load %arg11[%get3A_260, %get3A_261] {strides = array<i32>} : memref<32x128xf32, #tpu.memory_space<vmem>>, vector<16xf32>,
        %mul3A_263 = arith.mulf %get3A_262, %gather3A : vector<16xf32>
        %swap3A_264 = arith.index_cast %scan3A_236 : i32 to index
        %swap3A_265 = arith.constant 48 : index
        %swap3A_266 = tpu.vector_load %arg12[%swap3A_264, %swap3A_265] {strides = array<i32>} : memref<32x128xf32, #tpu.memory_space<vmem>>, vector<16xf32>,
        tpu.vector_store %arg12[%swap3A_264, %swap3A_265], %mul3A_263 {strides = array<i32>} : memref<32x128xf32, #tpu.memory_space<vmem>>, vector<16xf32>,
        %get3A_267 = arith.index_cast %scan3A_236 : i32 to index
        %get3A_268 = arith.constant 64 : index
        %get3A_269 = tpu.vector_load %arg11[%get3A_267, %get3A_268] {strides = array<i32>} : memref<32x128xf32, #tpu.memory_space<vmem>>, vector<16xf32>,
        %mul3A_270 = arith.mulf %get3A_269, %gather3A : vector<16xf32>
        %swap3A_271 = arith.index_cast %scan3A_236 : i32 to index
        %swap3A_272 = arith.constant 64 : index
        %swap3A_273 = tpu.vector_load %arg12[%swap3A_271, %swap3A_272] {strides = array<i32>} : memref<32x128xf32, #tpu.memory_space<vmem>>, vector<16xf32>,
        tpu.vector_store %arg12[%swap3A_271, %swap3A_272], %mul3A_270 {strides = array<i32>} : memref<32x128xf32, #tpu.memory_space<vmem>>, vector<16xf32>,
        %get3A_274 = arith.index_cast %scan3A_236 : i32 to index
        %get3A_275 = arith.constant 80 : index
        %get3A_276 = tpu.vector_load %arg11[%get3A_274, %get3A_275] {strides = array<i32>} : memref<32x128xf32, #tpu.memory_space<vmem>>, vector<16xf32>,
        %mul3A_277 = arith.mulf %get3A_276, %gather3A : vector<16xf32>
        %swap3A_278 = arith.index_cast %scan3A_236 : i32 to index
        %swap3A_279 = arith.constant 80 : index
        %swap3A_280 = tpu.vector_load %arg12[%swap3A_278, %swap3A_279] {strides = array<i32>} : memref<32x128xf32, #tpu.memory_space<vmem>>, vector<16xf32>,
        tpu.vector_store %arg12[%swap3A_278, %swap3A_279], %mul3A_277 {strides = array<i32>} : memref<32x128xf32, #tpu.memory_space<vmem>>, vector<16xf32>,
        %get3A_281 = arith.index_cast %scan3A_236 : i32 to index
        %get3A_282 = arith.constant 96 : index
        %get3A_283 = tpu.vector_load %arg11[%get3A_281, %get3A_282] {strides = array<i32>} : memref<32x128xf32, #tpu.memory_space<vmem>>, vector<16xf32>,
        %mul3A_284 = arith.mulf %get3A_283, %gather3A : vector<16xf32>
        %swap3A_285 = arith.index_cast %scan3A_236 : i32 to index
        %swap3A_286 = arith.constant 96 : index
        %swap3A_287 = tpu.vector_load %arg12[%swap3A_285, %swap3A_286] {strides = array<i32>} : memref<32x128xf32, #tpu.memory_space<vmem>>, vector<16xf32>,
        tpu.vector_store %arg12[%swap3A_285, %swap3A_286], %mul3A_284 {strides = array<i32>} : memref<32x128xf32, #tpu.memory_space<vmem>>, vector<16xf32>,
        %get3A_288 = arith.index_cast %scan3A_236 : i32 to index
        %get3A_289 = arith.constant 112 : index
        %get3A_290 = tpu.vector_load %arg11[%get3A_288, %get3A_289] {strides = array<i32>} : memref<32x128xf32, #tpu.memory_space<vmem>>, vector<16xf32>,
        %mul3A_291 = arith.mulf %get3A_290, %gather3A : vector<16xf32>
        %swap3A_292 = arith.index_cast %scan3A_236 : i32 to index
        %swap3A_293 = arith.constant 112 : index
        %swap3A_294 = tpu.vector_load %arg12[%swap3A_292, %swap3A_293] {strides = array<i32>} : memref<32x128xf32, #tpu.memory_space<vmem>>, vector<16xf32>,
        tpu.vector_store %arg12[%swap3A_292, %swap3A_293], %mul3A_291 {strides = array<i32>} : memref<32x128xf32, #tpu.memory_space<vmem>>, vector<16xf32>,
        %scan3A_295 = arith.constant 0 : i32
        scf.yield %scan3A_295 : i32
      }
      %scan3A_228 = arith.constant 32 : i32
      %mul3A_229 = arith.constant 32 : i32
      %mul3A_230 = arith.muli %add3A_204, %mul3A_229 : i32
      %dma_start3A_231 = tpu.memref_slice %arg8[%mul3A_230] : memref<10048xi32, #tpu.memory_space<vmem>> -> memref<32xi32, #tpu.memory_space<vmem>>
      %dma_start3A_232 = arith.constant 0 : i32
      %dma_start3A_233 = arith.constant 0 : i32
      %dma_start3A_234 = tpu.memref_slice %arg13[%dma_start3A_232, %dma_start3A_233] : memref<10240x128xf32, #tpu.memory_space<vmem_shared>> -> memref<10240x128xf32, #tpu.memory_space<vmem_shared>>
      tpu.enqueue_indirect_dma source(%arg12 : memref<32x128xf32, #tpu.memory_space<vmem>>) target(%dma_start3A_234 : memref<10240x128xf32, #tpu.memory_space<vmem_shared>>) offsets(%dma_start3A_231 : memref<32xi32, #tpu.memory_space<vmem>>) semaphore(%arg16 : memref<!tpu.dma_semaphore, #tpu.memory_space<semaphore_mem>>) {add = true}
      %while3A_235 = arith.constant 0 : i32
      scf.yield %while3A_235 : i32
    }
    %jit3A_136 = arith.constant 2 : i32
    %eq3A_137 = arith.constant 0 : i32
    %eq3A_138 = arith.cmpi eq, %jit3A_136, %eq3A_137 : i32
    %jit3A_139 = arith.constant 1 : i32
    %select_n3A_140 = arith.select %eq3A_138, %jit3A_139, %jit3A_136 : i32
    %rem3A_141 = arith.remsi %select_n3A, %select_n3A_140 : i32
    %ne3A_142 = arith.constant 0 : i32
    %ne3A_143 = arith.cmpi ne, %rem3A_141, %ne3A_142 : i32
    %lt3A = arith.constant 0 : i32
    %lt3A_144 = arith.cmpi slt, %rem3A_141, %lt3A : i32
    %lt3A_145 = arith.constant 0 : i32
    %lt3A_146 = arith.cmpi slt, %select_n3A_140, %lt3A_145 : i32
    %ne3A_147 = arith.xori %lt3A_144, %lt3A_146 : i1
    %and3A_148 = arith.andi %ne3A_147, %ne3A_143 : i1
    %add3A_149 = arith.addi %rem3A_141, %select_n3A_140 : i32
    %select_n3A_150 = arith.select %and3A_148, %add3A_149, %rem3A_141 : i32
    %eq3A_151 = arith.constant 1 : i32
    %eq3A_152 = arith.cmpi eq, %select_n3A_150, %eq3A_151 : i32
    %convert_element_type3A_153 = arith.extui %eq3A_152 : i1 to i32
    %cond3A_154 = arith.constant 0 : i32
    %cond3A_155 = arith.cmpi ne, %convert_element_type3A_153, %cond3A_154 : i32
    scf.if %cond3A_155 {
      %sub3A_168 = arith.constant 1 : i32
      %sub3A_169 = arith.subi %select_n3A, %sub3A_168 : i32
      %add3A_170 = arith.constant 1 : i32
      %add3A_171 = arith.addi %sub3A_169, %add3A_170 : i32
      %lt3A_172 = arith.cmpi slt, %add3A_171, %select_n3A : i32
      %convert_element_type3A_173 = arith.extui %lt3A_172 : i1 to i32
      %cond3A_174 = arith.constant 0 : i32
      %cond3A_175 = arith.cmpi ne, %convert_element_type3A_173, %cond3A_174 : i32
      scf.if %cond3A_175 {
        %add3A_199 = arith.constant 1 : i32
        %add3A_200 = arith.addi %sub3A_169, %add3A_199 : i32
        %mul3A_201 = arith.constant 32 : i32
        %mul3A_202 = arith.muli %add3A_200, %mul3A_201 : i32
        %dma_start3A_203 = tpu.memref_slice %arg7[%mul3A_202] : memref<10048xi32, #tpu.memory_space<vmem>> -> memref<32xi32, #tpu.memory_space<vmem>>
        %dma_start3A_204 = arith.constant 0 : i32
        %dma_start3A_205 = arith.constant 0 : i32
        %dma_start3A_206 = tpu.memref_slice %arg2[%dma_start3A_204, %dma_start3A_205] : memref<10000x128xf32, #tpu.memory_space<hbm>> -> memref<10000x128xf32, #tpu.memory_space<hbm>>
        tpu.enqueue_indirect_dma source(%dma_start3A_206 : memref<10000x128xf32, #tpu.memory_space<hbm>>) target(%arg11 : memref<32x128xf32, #tpu.memory_space<vmem>>) offsets(%dma_start3A_203 : memref<32xi32, #tpu.memory_space<vmem>>) semaphore(%arg15 : memref<!tpu.dma_semaphore, #tpu.memory_space<semaphore_mem>>)
      } else {
      }
      %mul3A_176 = arith.constant 32 : i32
      %mul3A_177 = arith.muli %sub3A_169, %mul3A_176 : i32
      %dma_wait3A_178 = tpu.memref_slice %arg7[%mul3A_177] : memref<10048xi32, #tpu.memory_space<vmem>> -> memref<32xi32, #tpu.memory_space<vmem>>
      %dma_wait3A_179 = arith.constant 0 : i32
      %dma_wait3A_180 = arith.constant 0 : i32
      %dma_wait3A_181 = tpu.memref_slice %arg2[%dma_wait3A_179, %dma_wait3A_180] : memref<10000x128xf32, #tpu.memory_space<hbm>> -> memref<10000x128xf32, #tpu.memory_space<hbm>>
      tpu.wait_indirect_dma semaphore(%arg14 : memref<!tpu.dma_semaphore, #tpu.memory_space<semaphore_mem>>) src(%dma_wait3A_181 : memref<10000x128xf32, #tpu.memory_space<hbm>>) dst(%arg10 : memref<32x128xf32, #tpu.memory_space<vmem>>)
      %ge3A = arith.constant 1 : i32
      %ge3A_182 = arith.cmpi sge, %sub3A_169, %ge3A : i32
      %convert_element_type3A_183 = arith.extui %ge3A_182 : i1 to i32
      %cond3A_184 = arith.constant 0 : i32
      %cond3A_185 = arith.cmpi ne, %convert_element_type3A_183, %cond3A_184 : i32
      scf.if %cond3A_185 {
        %sub3A_199 = arith.constant 1 : i32
        %sub3A_200 = arith.subi %sub3A_169, %sub3A_199 : i32
        %mul3A_201 = arith.constant 32 : i32
        %mul3A_202 = arith.muli %sub3A_200, %mul3A_201 : i32
        %dma_wait3A_203 = tpu.memref_slice %arg8[%mul3A_202] : memref<10048xi32, #tpu.memory_space<vmem>> -> memref<32xi32, #tpu.memory_space<vmem>>
        %dma_wait3A_204 = arith.constant 0 : i32
        %dma_wait3A_205 = arith.constant 0 : i32
        %dma_wait3A_206 = tpu.memref_slice %arg13[%dma_wait3A_204, %dma_wait3A_205] : memref<10240x128xf32, #tpu.memory_space<vmem_shared>> -> memref<10240x128xf32, #tpu.memory_space<vmem_shared>>
        tpu.wait_indirect_dma semaphore(%arg16 : memref<!tpu.dma_semaphore, #tpu.memory_space<semaphore_mem>>) src(%arg12 : memref<32x128xf32, #tpu.memory_space<vmem>>) dst(%dma_wait3A_206 : memref<10240x128xf32, #tpu.memory_space<vmem_shared>>)
      } else {
      }
      %scan3A_186 = arith.constant 0 : i32
      %scan3A_187 = arith.constant 0 : i32
      %scan3A_188 = arith.constant 32 : i32
      %scan3A_189 = arith.addi %scan3A_187, %scan3A_188 : i32
      %scan3A_190 = arith.constant 1 : i32
      %scan3A_191 = scf.for %scan3A_199 = %scan3A_187 to %scan3A_189 step %scan3A_190 iter_args(%scan3A_200 = %scan3A_186) -> (i32)  : i32 {
        %mul3A_201 = arith.constant 32 : i32
        %mul3A_202 = arith.muli %sub3A_169, %mul3A_201 : i32
        %add3A_203 = arith.addi %mul3A_202, %scan3A_199 : i32
        %broadcast_in_dim3A = vector.broadcast %add3A_203 : i32 to vector<16xi32>
        %gather3A = tpu.vector_load_idx %arg9[%broadcast_in_dim3A] : memref<10048xf32, #tpu.memory_space<vmem>>[vector<16xi32>], vector<16xf32>,
        %get3A = arith.index_cast %scan3A_199 : i32 to index
        %get3A_204 = arith.constant 0 : index
        %get3A_205 = tpu.vector_load %arg10[%get3A, %get3A_204] {strides = array<i32>} : memref<32x128xf32, #tpu.memory_space<vmem>>, vector<16xf32>,
        %mul3A_206 = arith.mulf %get3A_205, %gather3A : vector<16xf32>
        %swap3A = arith.index_cast %scan3A_199 : i32 to index
        %swap3A_207 = arith.constant 0 : index
        %swap3A_208 = tpu.vector_load %arg12[%swap3A, %swap3A_207] {strides = array<i32>} : memref<32x128xf32, #tpu.memory_space<vmem>>, vector<16xf32>,
        tpu.vector_store %arg12[%swap3A, %swap3A_207], %mul3A_206 {strides = array<i32>} : memref<32x128xf32, #tpu.memory_space<vmem>>, vector<16xf32>,
        %get3A_209 = arith.index_cast %scan3A_199 : i32 to index
        %get3A_210 = arith.constant 16 : index
        %get3A_211 = tpu.vector_load %arg10[%get3A_209, %get3A_210] {strides = array<i32>} : memref<32x128xf32, #tpu.memory_space<vmem>>, vector<16xf32>,
        %mul3A_212 = arith.mulf %get3A_211, %gather3A : vector<16xf32>
        %swap3A_213 = arith.index_cast %scan3A_199 : i32 to index
        %swap3A_214 = arith.constant 16 : index
        %swap3A_215 = tpu.vector_load %arg12[%swap3A_213, %swap3A_214] {strides = array<i32>} : memref<32x128xf32, #tpu.memory_space<vmem>>, vector<16xf32>,
        tpu.vector_store %arg12[%swap3A_213, %swap3A_214], %mul3A_212 {strides = array<i32>} : memref<32x128xf32, #tpu.memory_space<vmem>>, vector<16xf32>,
        %get3A_216 = arith.index_cast %scan3A_199 : i32 to index
        %get3A_217 = arith.constant 32 : index
        %get3A_218 = tpu.vector_load %arg10[%get3A_216, %get3A_217] {strides = array<i32>} : memref<32x128xf32, #tpu.memory_space<vmem>>, vector<16xf32>,
        %mul3A_219 = arith.mulf %get3A_218, %gather3A : vector<16xf32>
        %swap3A_220 = arith.index_cast %scan3A_199 : i32 to index
        %swap3A_221 = arith.constant 32 : index
        %swap3A_222 = tpu.vector_load %arg12[%swap3A_220, %swap3A_221] {strides = array<i32>} : memref<32x128xf32, #tpu.memory_space<vmem>>, vector<16xf32>,
        tpu.vector_store %arg12[%swap3A_220, %swap3A_221], %mul3A_219 {strides = array<i32>} : memref<32x128xf32, #tpu.memory_space<vmem>>, vector<16xf32>,
        %get3A_223 = arith.index_cast %scan3A_199 : i32 to index
        %get3A_224 = arith.constant 48 : index
        %get3A_225 = tpu.vector_load %arg10[%get3A_223, %get3A_224] {strides = array<i32>} : memref<32x128xf32, #tpu.memory_space<vmem>>, vector<16xf32>,
        %mul3A_226 = arith.mulf %get3A_225, %gather3A : vector<16xf32>
        %swap3A_227 = arith.index_cast %scan3A_199 : i32 to index
        %swap3A_228 = arith.constant 48 : index
        %swap3A_229 = tpu.vector_load %arg12[%swap3A_227, %swap3A_228] {strides = array<i32>} : memref<32x128xf32, #tpu.memory_space<vmem>>, vector<16xf32>,
        tpu.vector_store %arg12[%swap3A_227, %swap3A_228], %mul3A_226 {strides = array<i32>} : memref<32x128xf32, #tpu.memory_space<vmem>>, vector<16xf32>,
        %get3A_230 = arith.index_cast %scan3A_199 : i32 to index
        %get3A_231 = arith.constant 64 : index
        %get3A_232 = tpu.vector_load %arg10[%get3A_230, %get3A_231] {strides = array<i32>} : memref<32x128xf32, #tpu.memory_space<vmem>>, vector<16xf32>,
        %mul3A_233 = arith.mulf %get3A_232, %gather3A : vector<16xf32>
        %swap3A_234 = arith.index_cast %scan3A_199 : i32 to index
        %swap3A_235 = arith.constant 64 : index
        %swap3A_236 = tpu.vector_load %arg12[%swap3A_234, %swap3A_235] {strides = array<i32>} : memref<32x128xf32, #tpu.memory_space<vmem>>, vector<16xf32>,
        tpu.vector_store %arg12[%swap3A_234, %swap3A_235], %mul3A_233 {strides = array<i32>} : memref<32x128xf32, #tpu.memory_space<vmem>>, vector<16xf32>,
        %get3A_237 = arith.index_cast %scan3A_199 : i32 to index
        %get3A_238 = arith.constant 80 : index
        %get3A_239 = tpu.vector_load %arg10[%get3A_237, %get3A_238] {strides = array<i32>} : memref<32x128xf32, #tpu.memory_space<vmem>>, vector<16xf32>,
        %mul3A_240 = arith.mulf %get3A_239, %gather3A : vector<16xf32>
        %swap3A_241 = arith.index_cast %scan3A_199 : i32 to index
        %swap3A_242 = arith.constant 80 : index
        %swap3A_243 = tpu.vector_load %arg12[%swap3A_241, %swap3A_242] {strides = array<i32>} : memref<32x128xf32, #tpu.memory_space<vmem>>, vector<16xf32>,
        tpu.vector_store %arg12[%swap3A_241, %swap3A_242], %mul3A_240 {strides = array<i32>} : memref<32x128xf32, #tpu.memory_space<vmem>>, vector<16xf32>,
        %get3A_244 = arith.index_cast %scan3A_199 : i32 to index
        %get3A_245 = arith.constant 96 : index
        %get3A_246 = tpu.vector_load %arg10[%get3A_244, %get3A_245] {strides = array<i32>} : memref<32x128xf32, #tpu.memory_space<vmem>>, vector<16xf32>,
        %mul3A_247 = arith.mulf %get3A_246, %gather3A : vector<16xf32>
        %swap3A_248 = arith.index_cast %scan3A_199 : i32 to index
        %swap3A_249 = arith.constant 96 : index
        %swap3A_250 = tpu.vector_load %arg12[%swap3A_248, %swap3A_249] {strides = array<i32>} : memref<32x128xf32, #tpu.memory_space<vmem>>, vector<16xf32>,
        tpu.vector_store %arg12[%swap3A_248, %swap3A_249], %mul3A_247 {strides = array<i32>} : memref<32x128xf32, #tpu.memory_space<vmem>>, vector<16xf32>,
        %get3A_251 = arith.index_cast %scan3A_199 : i32 to index
        %get3A_252 = arith.constant 112 : index
        %get3A_253 = tpu.vector_load %arg10[%get3A_251, %get3A_252] {strides = array<i32>} : memref<32x128xf32, #tpu.memory_space<vmem>>, vector<16xf32>,
        %mul3A_254 = arith.mulf %get3A_253, %gather3A : vector<16xf32>
        %swap3A_255 = arith.index_cast %scan3A_199 : i32 to index
        %swap3A_256 = arith.constant 112 : index
        %swap3A_257 = tpu.vector_load %arg12[%swap3A_255, %swap3A_256] {strides = array<i32>} : memref<32x128xf32, #tpu.memory_space<vmem>>, vector<16xf32>,
        tpu.vector_store %arg12[%swap3A_255, %swap3A_256], %mul3A_254 {strides = array<i32>} : memref<32x128xf32, #tpu.memory_space<vmem>>, vector<16xf32>,
        %scan3A_258 = arith.constant 0 : i32
        scf.yield %scan3A_258 : i32
      }
      %scan3A_192 = arith.constant 32 : i32
      %mul3A_193 = arith.constant 32 : i32
      %mul3A_194 = arith.muli %sub3A_169, %mul3A_193 : i32
      %dma_start3A_195 = tpu.memref_slice %arg8[%mul3A_194] : memref<10048xi32, #tpu.memory_space<vmem>> -> memref<32xi32, #tpu.memory_space<vmem>>
      %dma_start3A_196 = arith.constant 0 : i32
      %dma_start3A_197 = arith.constant 0 : i32
      %dma_start3A_198 = tpu.memref_slice %arg13[%dma_start3A_196, %dma_start3A_197] : memref<10240x128xf32, #tpu.memory_space<vmem_shared>> -> memref<10240x128xf32, #tpu.memory_space<vmem_shared>>
      tpu.enqueue_indirect_dma source(%arg12 : memref<32x128xf32, #tpu.memory_space<vmem>>) target(%dma_start3A_198 : memref<10240x128xf32, #tpu.memory_space<vmem_shared>>) offsets(%dma_start3A_195 : memref<32xi32, #tpu.memory_space<vmem>>) semaphore(%arg16 : memref<!tpu.dma_semaphore, #tpu.memory_space<semaphore_mem>>) {add = true}
    } else {
    }
    %sub3A_156 = arith.constant 1 : i32
    %sub3A_157 = arith.subi %select_n3A, %sub3A_156 : i32
    %mul3A_158 = arith.constant 32 : i32
    %mul3A_159 = arith.muli %sub3A_157, %mul3A_158 : i32
    %dma_wait3A = tpu.memref_slice %arg8[%mul3A_159] : memref<10048xi32, #tpu.memory_space<vmem>> -> memref<32xi32, #tpu.memory_space<vmem>>
    %dma_wait3A_160 = arith.constant 0 : i32
    %dma_wait3A_161 = arith.constant 0 : i32
    %dma_wait3A_162 = tpu.memref_slice %arg13[%dma_wait3A_160, %dma_wait3A_161] : memref<10240x128xf32, #tpu.memory_space<vmem_shared>> -> memref<10240x128xf32, #tpu.memory_space<vmem_shared>>
    tpu.wait_indirect_dma semaphore(%arg16 : memref<!tpu.dma_semaphore, #tpu.memory_space<semaphore_mem>>) src(%arg12 : memref<32x128xf32, #tpu.memory_space<vmem>>) dst(%dma_wait3A_162 : memref<10240x128xf32, #tpu.memory_space<vmem_shared>>)
    %barrier3A_163 = arith.constant 0 : index
    tpu.barrier barrier_id(%barrier3A_163)
    %mul3A_164 = arith.constant 640 : i32
    %mul3A_165 = arith.muli %arg1, %mul3A_164 : i32
    %mul3A_166 = arith.constant 640 : i32
    %mul3A_167 = arith.muli %arg1, %mul3A_166 : i32
    "tpu.region"() ({
      %run_scoped3A = tpu.sem_alloc : memref<!tpu.dma_semaphore, #tpu.memory_space<semaphore_mem>>
      %dma_start3A_168 = arith.constant 0 : i32
      %dma_start3A_169 = tpu.memref_slice %arg6[%arg0, %mul3A_167, %dma_start3A_168] : memref<2x10240x128xf32, #tpu.memory_space<hbm>> -> memref<1x640x128xf32, #tpu.memory_space<hbm>>
      %dma_start3A_170 = tpu.memref_squeeze %dma_start3A_169 : memref<1x640x128xf32, #tpu.memory_space<hbm>> -> memref<640x128xf32, #tpu.memory_space<hbm>>
      %dma_start3A_171 = arith.constant 0 : i32
      %dma_start3A_172 = tpu.memref_slice %arg13[%mul3A_165, %dma_start3A_171] : memref<10240x128xf32, #tpu.memory_space<vmem_shared>> -> memref<640x128xf32, #tpu.memory_space<vmem_shared>>
      tpu.enqueue_dma source(%dma_start3A_172 : memref<640x128xf32, #tpu.memory_space<vmem_shared>>) target(%dma_start3A_170 : memref<640x128xf32, #tpu.memory_space<hbm>>) target_semaphore(%run_scoped3A : memref<!tpu.dma_semaphore, #tpu.memory_space<semaphore_mem>>)
      %dma_wait3A_173 = arith.constant 0 : i32
      %dma_wait3A_174 = tpu.memref_slice %arg6[%arg0, %mul3A_167, %dma_wait3A_173] : memref<2x10240x128xf32, #tpu.memory_space<hbm>> -> memref<1x640x128xf32, #tpu.memory_space<hbm>>
      %dma_wait3A_175 = tpu.memref_squeeze %dma_wait3A_174 : memref<1x640x128xf32, #tpu.memory_space<hbm>> -> memref<640x128xf32, #tpu.memory_space<hbm>>
      %dma_wait3A_176 = arith.constant 0 : i32
      %dma_wait3A_177 = tpu.memref_slice %arg13[%mul3A_165, %dma_wait3A_176] : memref<10240x128xf32, #tpu.memory_space<vmem_shared>> -> memref<640x128xf32, #tpu.memory_space<vmem_shared>>
      tpu.wait_dma2 semaphore(%run_scoped3A : memref<!tpu.dma_semaphore, #tpu.memory_space<semaphore_mem>>) src(%dma_wait3A_177 : memref<640x128xf32, #tpu.memory_space<vmem_shared>>) dst(%dma_wait3A_175 : memref<640x128xf32, #tpu.memory_space<hbm>>)
      tpu.yield
    }) : () -> ()
    return
  }
}

module attributes {stable_mosaic.version = 14 : i64} {
  func.func @_dense2_body(%arg0: i32, %arg1: memref<1000x128xf32, #tpu.memory_space<vmem>>, %arg2: memref<128x128xf32, #tpu.memory_space<vmem>>, %arg3: memref<1x128xf32, #tpu.memory_space<vmem>>, %arg4: memref<1000x128xf32, #tpu.memory_space<vmem>>) attributes {dimension_semantics = [#tpu.dimension_semantics<arbitrary>], iteration_bounds = array<i64: 10>, scalar_prefetch = 0 : i64, scratch_operands = 0 : i64, tpu.core_type = #tpu.core_type<tc>, window_params = [{transform_indices = @transform_0, window_bounds = array<i64: 1000, 128>}, {pipeline_mode = #tpu.pipeline_mode<synchronous>, transform_indices = @transform_1, window_bounds = array<i64: 128, 128>}, {pipeline_mode = #tpu.pipeline_mode<synchronous>, transform_indices = @transform_2, window_bounds = array<i64: 1, 128>}, {transform_indices = @transform_3, window_bounds = array<i64: 1000, 128>}]} {
    %get3A = arith.constant 0 : index
    %get3A_0 = arith.constant 0 : index
    %get3A_1 = vector.load %arg1[%get3A, %get3A_0] : memref<1000x128xf32, #tpu.memory_space<vmem>>, vector<1000x128xf32>
    %get3A_2 = arith.constant 0 : index
    %get3A_3 = arith.constant 0 : index
    %get3A_4 = vector.load %arg2[%get3A_2, %get3A_3] : memref<128x128xf32, #tpu.memory_space<vmem>>, vector<128x128xf32>
    %dot_general3A = arith.constant dense<0.000000e+00> : vector<1000x128xf32>
    %dot_general3A_5 = tpu.matmul %get3A_1, %get3A_4, %dot_general3A {dimension_numbers = #tpu.dot_dimension_numbers<[1], [0], [0], [1], [0, 0, 1, 1], [], []>, transpose_lhs_hint = false} : vector<1000x128xf32>, vector<128x128xf32>, vector<1000x128xf32> -> vector<1000x128xf32>
    %get3A_6 = arith.constant 0 : index
    %get3A_7 = arith.constant 0 : index
    %get3A_8 = vector.load %arg3[%get3A_6, %get3A_7] : memref<1x128xf32, #tpu.memory_space<vmem>>, vector<1x128xf32>
    %add3A = vector.broadcast %get3A_8 : vector<1x128xf32> to vector<1000x128xf32>
    %add3A_9 = arith.addf %dot_general3A_5, %add3A : vector<1000x128xf32>
    %max3A = arith.constant 0.000000e+00 : f32
    %max3A_10 = vector.broadcast %max3A : f32 to vector<1000x128xf32>
    %max3A_11 = arith.maximumf %add3A_9, %max3A_10 : vector<1000x128xf32>
    %swap3A = arith.constant 0 : index
    %swap3A_12 = arith.constant 0 : index
    %swap3A_13 = vector.load %arg4[%swap3A, %swap3A_12] : memref<1000x128xf32, #tpu.memory_space<vmem>>, vector<1000x128xf32>
    tpu.vector_store %arg4[%swap3A, %swap3A_12], %max3A_11 {strides = array<i32>} : memref<1000x128xf32, #tpu.memory_space<vmem>>, vector<1000x128xf32>,
    return
  }
  func.func @transform_0(%arg0: i32) -> (i32, i32) {
    %c0_i32 = arith.constant 0 : i32
    %c0_i32_0 = arith.constant 0 : i32
    return %arg0, %c0_i32 : i32, i32
  }
  func.func @transform_1(%arg0: i32) -> (i32, i32) {
    %c0_i32 = arith.constant 0 : i32
    %c0_i32_0 = arith.constant 0 : i32
    %c0_i32_1 = arith.constant 0 : i32
    return %c0_i32, %c0_i32_0 : i32, i32
  }
  func.func @transform_2(%arg0: i32) -> (i32, i32) {
    %c0_i32 = arith.constant 0 : i32
    %c0_i32_0 = arith.constant 0 : i32
    %c0_i32_1 = arith.constant 0 : i32
    return %c0_i32, %c0_i32_0 : i32, i32
  }
  func.func @transform_3(%arg0: i32) -> (i32, i32) {
    %c0_i32 = arith.constant 0 : i32
    %c0_i32_0 = arith.constant 0 : i32
    return %arg0, %c0_i32 : i32, i32
  }
}

module attributes {stable_mosaic.version = 14 : i64} {
  func.func @_dense1_body(%arg0: i32, %arg1: memref<2x1000x128xf32, #tpu.memory_space<vmem>>, %arg2: memref<128x128xf32, #tpu.memory_space<vmem>>, %arg3: memref<1x128xf32, #tpu.memory_space<vmem>>, %arg4: memref<1000x128xf32, #tpu.memory_space<vmem>>) attributes {dimension_semantics = [#tpu.dimension_semantics<arbitrary>], iteration_bounds = array<i64: 10>, scalar_prefetch = 0 : i64, scratch_operands = 0 : i64, tpu.core_type = #tpu.core_type<tc>, window_params = [{transform_indices = @transform_0, window_bounds = array<i64: 2, 1000, 128>}, {pipeline_mode = #tpu.pipeline_mode<synchronous>, transform_indices = @transform_1, window_bounds = array<i64: 128, 128>}, {pipeline_mode = #tpu.pipeline_mode<synchronous>, transform_indices = @transform_2, window_bounds = array<i64: 1, 128>}, {transform_indices = @transform_3, window_bounds = array<i64: 1000, 128>}]} {
    %get3A = arith.constant 0 : index
    %get3A_0 = arith.constant 0 : index
    %get3A_1 = arith.constant 0 : index
    %get3A_2 = vector.load %arg1[%get3A, %get3A_0, %get3A_1] : memref<2x1000x128xf32, #tpu.memory_space<vmem>>, vector<1x1000x128xf32>
    %get3A_3 = vector.shape_cast %get3A_2 : vector<1x1000x128xf32> to vector<1000x128xf32>
    %get3A_4 = arith.constant 1 : index
    %get3A_5 = arith.constant 0 : index
    %get3A_6 = arith.constant 0 : index
    %get3A_7 = vector.load %arg1[%get3A_4, %get3A_5, %get3A_6] : memref<2x1000x128xf32, #tpu.memory_space<vmem>>, vector<1x1000x128xf32>
    %get3A_8 = vector.shape_cast %get3A_7 : vector<1x1000x128xf32> to vector<1000x128xf32>
    %add3A = arith.addf %get3A_3, %get3A_8 : vector<1000x128xf32>
    %get3A_9 = arith.constant 0 : index
    %get3A_10 = arith.constant 0 : index
    %get3A_11 = vector.load %arg2[%get3A_9, %get3A_10] : memref<128x128xf32, #tpu.memory_space<vmem>>, vector<128x128xf32>
    %dot_general3A = arith.constant dense<0.000000e+00> : vector<1000x128xf32>
    %dot_general3A_12 = tpu.matmul %add3A, %get3A_11, %dot_general3A {dimension_numbers = #tpu.dot_dimension_numbers<[1], [0], [0], [1], [0, 0, 1, 1], [], []>, transpose_lhs_hint = false} : vector<1000x128xf32>, vector<128x128xf32>, vector<1000x128xf32> -> vector<1000x128xf32>
    %get3A_13 = arith.constant 0 : index
    %get3A_14 = arith.constant 0 : index
    %get3A_15 = vector.load %arg3[%get3A_13, %get3A_14] : memref<1x128xf32, #tpu.memory_space<vmem>>, vector<1x128xf32>
    %add3A_16 = vector.broadcast %get3A_15 : vector<1x128xf32> to vector<1000x128xf32>
    %add3A_17 = arith.addf %dot_general3A_12, %add3A_16 : vector<1000x128xf32>
    %max3A = arith.constant 0.000000e+00 : f32
    %max3A_18 = vector.broadcast %max3A : f32 to vector<1000x128xf32>
    %max3A_19 = arith.maximumf %add3A_17, %max3A_18 : vector<1000x128xf32>
    %swap3A = arith.constant 0 : index
    %swap3A_20 = arith.constant 0 : index
    %swap3A_21 = vector.load %arg4[%swap3A, %swap3A_20] : memref<1000x128xf32, #tpu.memory_space<vmem>>, vector<1000x128xf32>
    tpu.vector_store %arg4[%swap3A, %swap3A_20], %max3A_19 {strides = array<i32>} : memref<1000x128xf32, #tpu.memory_space<vmem>>, vector<1000x128xf32>,
    return
  }
  func.func @transform_0(%arg0: i32) -> (i32, i32, i32) {
    %c0_i32 = arith.constant 0 : i32
    %c0_i32_0 = arith.constant 0 : i32
    %c0_i32_1 = arith.constant 0 : i32
    return %c0_i32, %arg0, %c0_i32_0 : i32, i32, i32
  }
  func.func @transform_1(%arg0: i32) -> (i32, i32) {
    %c0_i32 = arith.constant 0 : i32
    %c0_i32_0 = arith.constant 0 : i32
    %c0_i32_1 = arith.constant 0 : i32
    return %c0_i32, %c0_i32_0 : i32, i32
  }
  func.func @transform_2(%arg0: i32) -> (i32, i32) {
    %c0_i32 = arith.constant 0 : i32
    %c0_i32_0 = arith.constant 0 : i32
    %c0_i32_1 = arith.constant 0 : i32
    return %c0_i32, %c0_i32_0 : i32, i32
  }
  func.func @transform_3(%arg0: i32) -> (i32, i32) {
    %c0_i32 = arith.constant 0 : i32
    %c0_i32_0 = arith.constant 0 : i32
    return %arg0, %c0_i32 : i32, i32
  }
}

</mosaic_0001>

<sc_bundles>
// kernel: kernel.5.cloned.1.call-start
scs
__scs_entry_jumppad:
0x0: {  	(pc) =	sbr.rel $0x88, $3  }
0x1: {  	(tag) =	ssettag $0x0;
	lr =	simm.s32 $0x1  }
0x2: {  	[smem:$0x3F9A] =	sst lr;
	_ =	strace $0xD0000000  }
0x3: {  	_ = 	snop  }
0x4: {  	_ = 	snop  }
0x5: {  	_ = 	snop  }
0x6: {  	_ = 	snop  }
0x7: {  	_ = 	snop  }
__scs_overlays_trampoline_lowered:
0x8: {  	[smem:$0x3FA9] =	sst s0  }
0x9: {  	[smem:$0x3FAA] =	sst s1  }
0xa: {  	[smem:$0x3FAB] =	sst s2  }
0xb: {  	[smem:$0x3FAC] =	sst s3  }
0xc: {  	[smem:$0x3FAD] =	sst s4  }
0xd: {  	[smem:$0x3FAE] =	sst s5  }
0xe: {  	[smem:$0x3FAF] =	sst s6  }
0xf: {  	[smem:$0x3FB0] =	sst s7  }
0x10: {  	[smem:$0x3FB1] =	sst s8  }
0x11: {  	[smem:$0x3FB2] =	sst s9;
	s0 =	simm.s32 @!p0 $0x0  }
0x12: {  	s1 =	sld [smem:$0x3F98];
	s0 =	simm.s32 @p0 $0x1  }
0x13: {  	[smem:$0x3FB3] =	sst s0;
	s0 =	simm.s32 @!p1 $0x0  }
0x14: {  	s2 =	sld [smem:$0x3F97];
	s0 =	simm.s32 @p1 $0x1  }
0x15: {  	[smem:$0x3FB4] =	sst s0;
	s0 =	simm.s32 @!p2 $0x0  }
0x16: {  	s3 =	sld [smem:$0x3FDB];
	s0 =	simm.s32 @p2 $0x1  }
0x17: {  	s4 =	simm.s32 $0x1BF5;
	[smem:$0x3FB6] =	sst s0  }
0x18: {  	s0 =	sld [smem:$0x3F99];
	_ =	swait.ge [sflag:s4], $0x0  }
0x19: {  	s7 =	sld [smem:$0x3F9A]  }
0x1a: {  	s8 =	sadd.s32 $0xFFFFE003, lr  }
0x1b: {  	s9 =	sadd.s32 $0xFFFFFEF7, lr;
	s5 =	simm.s32 $0xFFFFFFFF;
	p2 =	slt.u32 s8, $0xFFFFF086  }
0x1c: {  	p1 =	slt.u32 s9, $0xF7A;
	s5 =	simm.s32 @!p2 $0x0  }
0x1d: {  	s5 =	simm.s32 @p1 $0x1;
	p0 =	seq.s32 s7, s2  }
0x1e: {  	s7 =	smul.u32 @!p0 $0xF7A, s2;
	p2 =	seq.s32 @!p0 s5, $0x0  }
0x1f: {  	s9 =	smul.u32 $0xF7A, s1;
	s8 =	simm.s32 @!p0 $0x1BF5;
	p2 =	por !p2, p0  }
0x20: {  	[sflag:s8] =	ssyncset.s32 @!p0 $0xFFFFF086;
	s6 =	sadd.s32 @!p0 s3, s7;
	s7 =	simm.s32 @!p0 $0x108  }
0x21: {  	s3 =	sadd.s32 s3, s9;
	s6 =	sadd.s32 @!p0 $0x88, s6;
	s7 =	simm.s32 @p2 $0x1082  }
0x22: {  	[simem:s7], [sflag:s8] =	dma.local @!p0 [hbm:s6], $0xF7A  }
0x23: {  	s9 =	sor.u32 $0xD0000000, s2;
	s6 =	simm.s32 $0x108;
	_ =	swait.ge @!p0 [sflag:s8], $0x0  }
0x24: {  	s3 =	sadd.s32 $0x88, s3;
	s6 =	simm.s32 @!p1 $0x1082;
	[sflag:s4] =	ssyncset.s32 $0xFFFFF086  }
0x25: {  	[simem:s6], [sflag:s4] =	dma.local [hbm:s3], $0xF7A  }
0x26: {  	[smem:$0x3F9A] =	sst s1;
	(tag) =	ssettag s2;
	_ =	strace s9  }
0x27: {  	s1 =	sld [smem:$0x3FAA]  }
0x28: {  	s2 =	sld [smem:$0x3FAB]  }
0x29: {  	s4 =	sld [smem:$0x3FAD]  }
0x2a: {  	p0 =	seq.s32 s5, $0x0;
	s5 =	sld [smem:$0x3FAE]  }
0x2b: {  	s6 =	sld [smem:$0x3FAF]  }
0x2c: {  	s7 =	sld [smem:$0x3FB0]  }
0x2d: {  	s3 =	simm.s32 $0x108;
	s8 =	sld [smem:$0x3FB1]  }
0x2e: {  	s3 =	simm.s32 @!p0 $0x1082;
	s9 =	sld [smem:$0x3FB2]  }
0x2f: {  	lr =	sadd.s32 s0, s3;
	s0 =	sld [smem:$0x3FA9]  }
0x30: {  	s3 =	sld [smem:$0x3FAC]  }
0x31: {  	[smem:$0x3FB5] =	sst s10  }
0x32: {  	s10 =	sld [smem:$0x3FB3];
	_ =	sdelay $0x3  }
0x33: {  	p0 =	seq.s32 s10, $0x1;
	s10 =	sld [smem:$0x3FB5];
	_ =	sdelay $0x3  }
0x34: {  	[smem:$0x3FB5] =	sst s10  }
0x35: {  	s10 =	sld [smem:$0x3FB4];
	_ =	sdelay $0x3  }
0x36: {  	p1 =	seq.s32 s10, $0x1;
	s10 =	sld [smem:$0x3FB5];
	_ =	sdelay $0x3  }
0x37: {  	[smem:$0x3FB5] =	sst s10  }
0x38: {  	s10 =	sld [smem:$0x3FB6]  }
0x39: {  	_ = 	snop;
	(pc) =	sbr.ind lr, $3  }
0x3a: {  	_ = 	snop  }
0x3b: {  	_ = 	snop  }
0x3c: {  	p2 =	seq.s32 s10, $0x1;
	s10 =	sld [smem:$0x3FB5]  }
0x3d: {  	_ =	shalt  }
0x3e: {  	_ =	shalt  }
0x3f: {  	_ =	shalt  }
0x40: {  	_ =	shalt  }
0x41: {  	_ =	shalt  }
0x42: {  	_ =	shalt  }
0x43: {  	_ =	shalt  }
0x44: {  	_ =	shalt  }
0x45: {  	_ =	shalt  }
0x46: {  	_ =	shalt  }
0x47: {  	_ =	shalt  }
0x48: {  	_ =	shalt  }
0x49: {  	_ =	shalt  }
0x4a: {  	_ =	shalt  }
0x4b: {  	_ =	shalt  }
0x4c: {  	_ =	shalt  }
0x4d: {  	_ =	shalt  }
0x4e: {  	_ =	shalt  }
0x4f: {  	_ =	shalt  }
0x50: {  	_ =	shalt  }
0x51: {  	_ =	shalt  }
0x52: {  	_ =	shalt  }
0x53: {  	_ =	shalt  }
0x54: {  	_ =	shalt  }
0x55: {  	_ =	shalt  }
0x56: {  	_ =	shalt  }
0x57: {  	_ =	shalt  }
0x58: {  	_ =	shalt  }
0x59: {  	_ =	shalt  }
0x5a: {  	_ =	shalt  }
0x5b: {  	_ =	shalt  }
0x5c: {  	_ =	shalt  }
0x5d: {  	_ =	shalt  }
0x5e: {  	_ =	shalt  }
0x5f: {  	_ =	shalt  }
0x60: {  	_ =	shalt  }
0x61: {  	_ =	shalt  }
0x62: {  	_ =	shalt  }
0x63: {  	_ =	shalt  }
0x64: {  	_ =	shalt  }
0x65: {  	_ =	shalt  }
0x66: {  	_ =	shalt  }
0x67: {  	_ =	shalt  }
0x68: {  	_ =	shalt  }
0x69: {  	_ =	shalt  }
0x6a: {  	_ =	shalt  }
0x6b: {  	_ =	shalt  }
0x6c: {  	_ =	shalt  }
0x6d: {  	_ =	shalt  }
0x6e: {  	_ =	shalt  }
0x6f: {  	_ =	shalt  }
0x70: {  	_ =	shalt  }
0x71: {  	_ =	shalt  }
0x72: {  	_ =	shalt  }
0x73: {  	_ =	shalt  }
0x74: {  	_ =	shalt  }
0x75: {  	_ =	shalt  }
0x76: {  	_ =	shalt  }
0x77: {  	_ =	shalt  }
0x78: {  	_ =	shalt  }
0x79: {  	_ =	shalt  }
0x7a: {  	_ =	shalt  }
0x7b: {  	_ =	shalt  }
0x7c: {  	_ =	shalt  }
0x7d: {  	_ =	shalt  }
0x7e: {  	_ =	shalt  }
0x7f: {  	_ =	shalt  }
0x80: {  	_ =	shalt  }
0x81: {  	_ =	shalt  }
0x82: {  	_ =	shalt  }
0x83: {  	_ =	shalt  }
0x84: {  	_ =	shalt  }
0x85: {  	_ =	shalt  }
0x86: {  	_ =	shalt  }
0x87: {  	_ =	shalt  }
.Lfunc_end0:
.L_simem_size_0:
called_computation_lowered:
.L_overlay_start_0:
0x88: {  	s2 =	sld [smem:$0x3FD9]  }
0x89: {  	s3 =	sld [smem:$0x3FFE];
	_ =	sdelay $0x1  }
0x8a: {  	s1 =	srdreg.scid  }
0x8b: {  	s0 =	sand.u32 $0x1, s1  }
0x8c: {  	s17 =	sshll.u32 s0, $0xA;
	s2 =	sadd.s32 s3, s2  }
0x8d: {  	s2 =	sadd.s32 s2, s17  }
0x8e: {  	[smem:$0x3FC1] =	sst s2  }
0x8f: {  	_ = 	snop  }
0x90: {  	s2 =	sld [smem:$0x3FC9]  }
0x91: {  	s18 =	sld [smem:$0x3FC7]  }
0x92: {  	s4 =	sld [smem:$0x3FD0];
	(tm) =	ssettm $0x1  }
0x93: {  	s5 =	sld [smem:$0x3FFB];
	_ =	sdelay $0x3  }
0x94: {  	_ =	strace s5  }
0x95: {  	s5 =	sld [smem:$0x3FFC];
	_ =	sdelay $0x3  }
0x96: {  	_ =	strace s5  }
0x97: {  	s5 =	sld [smem:$0x3FFD];
	_ =	sdelay $0x3  }
0x98: {  	_ =	strace s5  }
0x99: {  	_ =	strace $0x8FFFFFFF  }
0x9a: {  	s19 =	sld [smem:$0x3FDB];
	_ =	sdelay $0x1  }
0x9b: {  	s6 =	simm.s32 $_scs_section_size  }
0x9c: {  	s7 =	simm.s32 $_size__tile_overlayer_lowered;
	s8 =	simm.s32 $_tile_overlayer_lowered  }
0x9d: {  	s22 =	simm.s32 $0x1BFF;
	s21 =	sshll.u32 s8, $0x1;
	s5 =	sadd.s32 s6, s19  }
0x9e: {  	s9 =	simm.s32 $0x0;
	s20 =	sshll.u32 s7, $0x1;
	s7 =	sadd.s32 s21, s5  }
0x9f: {  	[timem:s9], [sflag:s22] =	dma.local [hbm:s7], s20  }
0xa0: {  	_ =	swait.ge [sflag:s22], s20  }
0xa1: {  	s6 =	ssub.s32 $0x0, s20;
	[sflag:s22] =	ssyncset.done $0x0  }
0xa2: {  	[sflag:s22] =	ssyncadd.s32 s6;
	_ =	sdelay $0x1  }
0xa3: {  	s23 =	simm.s32 $0x1B8B  }
0xa4: {  	_ =	swait.ge [sflag:s23], $0x1  }
0xa5: {  	[sflag:s23] =	ssyncset.done $0x0  }
0xa6: {  	s25 =	simm.s32 $0x1B8E;
	s24 =	sld [smem:$0x3FFE];
	[sflag:s23] =	ssyncadd.s32 $0xFFFFFFFF  }
0xa7: {  	s26 =	simm.s32 $execute0_lowered;
	[smem:$0x3FD2] =	sst s25  }
0xa8: {  	s7 =	sshll.u32 s26, $0x1;
	_ =	strace $0x80000046;
	[dreg:$0x1] =	wrdreg $0xFFFFFFFF  }
0xa9: {  	s28 =	simm.s32 $_size_execute0_lowered;
	s5 =	sadd.s32 s5, s7;
	[dreg:$0x0] =	wrdreg $0x0  }
0xaa: {  	s7 =	sshll.u32 s28, $0x1;
	[dreg:$0x2] =	wrdreg s5  }
0xab: {  	[dreg:$0x3] =	wrdreg s7  }
0xac: {  	[dreg:$0x4] =	wrdreg $0xC0  }
0xad: {  	_ =	task [dreg:s9], $0x5FFFF  }
0xae: {  	[dreg:$0x1] =	wrdreg $0xFFFFFFFF  }
0xaf: {  	[dreg:$0x0] =	wrdreg $0x60  }
0xb0: {  	[dreg:$0x2] =	wrdreg s2  }
0xb1: {  	[dreg:$0x3] =	wrdreg s24  }
0xb2: {  	[dreg:$0x4] =	wrdreg s4  }
0xb3: {  	[dreg:$0x5] =	wrdreg s18  }
0xb4: {  	[dreg:$0x6] =	wrdreg $0xA6800  }
0xb5: {  	[dreg:$0x7] =	wrdreg $0x9  }
0xb6: {  	_ =	task.clear_ibuf [dreg:s9], $0x8FFFF;
	_ =	strace $0x90000046  }
0xb7: {  	s29 =	simm.s32 $0x9;
	_ =	strace $0x80000048  }
0xb8: {  	_ =	swait.ge [sflag:s29], $0x1  }
0xb9: {  	[sflag:s29] =	ssyncadd.s32 $0xFFFFFFFF  }
0xba: {  	_ =	strace $0x90000048  }
0xbb: {  	_ =	sfence  }
0xbc: {  	s30 =	sld [smem:$0x0];
	_ =	sdelay $0x2  }
0xbd: {  	s31 =	sshll.u32 s1, $0xD;
	s1 =	sshrl.u32 s1, $0x2  }
0xbe: {  	s3 =	sand.u32 $0x4000, s31;
	s1 =	sadd.s32 s1, s30  }
0xbf: {  	s0 =	sor.u32 s3, s0;
	s1 =	sshll.u32 s1, $0x11  }
0xc0: {  	s0 =	sor.u32 s1, s0  }
0xc1: {  	s0 =	sadd.s32 $0x8F2B, s0  }
0xc2: {  	[sflag:s0] =	ssyncadd.remote.s32 $0x1  }
0xc3: {  	_ =	sfence.sel $0xFFFF  }
0xc4: {  	[dreg:$0x0] =	wrdreg $0xFFFFFFFF;
	(pc) =	sbr.abs _section_cstart, $3  }
0xc5: {  	[dreg:$0x1] =	wrdreg $0xFFFFFFFF  }
0xc6: {  	_ =	task.clear_ibuf [dreg:s9], $0x2FFFF;
	_ =	strace $0x9FFFFFFF  }
0xc7: {  	(tm) =	ssettm $0x7FFFFFFF  }
tec
execute0_lowered:
.L_overlay_start_1:
0x0: {  	(tag) =	ssettag $0x1  }
0x1: {  	s0 =	rddreg [dreg:$0x0]  }
0x2: {  	s1 =	rddreg [dreg:$0x1]  }
0x3: {  	s2 =	rddreg [dreg:$0x2]  }
0x4: {  	s6 =	rddreg [dreg:$0x3];
	s12 =	stileid.u32  }
0x5: {  	s4 =	srdreg.scid;
	s8 =	smul.u32 $0x14000, s12  }
0x6: {  	s3 =	rddreg [dreg:$0x4];
	s7 =	sand.u32 $0x1, s4;
	s10 =	smul.u32 $0x26E0, s12  }
0x7: {  	s4 =	simm.s32 $0x0;
	s11 =	sadd.s32 $0xE00, s1;
	s23 =	smul.u32 $0x4E8, s12  }
0x8: {  	s5 =	smul.u32 $0x140000, s7;
	[smem:$0x7FF] =	sst s4;
	s21 =	ssub.s32 $0x2, s7  }
0x9: {  	_ =	strace $0x80000047;
	s9 =	sshrl.u32 s21, $0x1;
	s22 =	sshrl.u32 s10, $0x3  }
0xa: {  	s25 =	sadd.s32 s11, s23;
	s10 =	sadd.s32 s6, s23;
	s5 =	sadd.s32 s8, s5  }
0xb: {  	s8 =	ssub.s32 s21, s9;
	s9 =	sadd.s32 $0x4E80, s22;
	[dreg:$0x9] =	wrdreg s25  }
0xc: {  	s12 =	smul.u32 $0x50000, s12;
	[dreg:$0xb] =	wrdreg s10;
	s13 =	sadd.s32 s11, s9  }
0xd: {  	s24 =	sadd.s32 s2, s9;
	[dreg:$0x6] =	wrdreg s13  }
0xe: {  	s26 =	sshrl.u32 s12, $0x2;
	s9 =	sadd.s32 s6, s9;
	[dreg:$0x7] =	wrdreg s24  }
0xf: {  	s12 =	sadd.s32 s26, s3;
	s2 =	sadd.s32 s2, s23;
	[dreg:$0x8] =	wrdreg s9  }
0x10: {  	s11 =	sadd.s32 $0x1000, s12;
	[dreg:$0xa] =	wrdreg s2  }
0x11: {  	p0 =	seq.s32 s7, $0x0;
	s14 =	sadd.s32 $0x3000, s12;
	[dreg:$0xc] =	wrdreg s11  }
0x12: {  	s10 =	simm.s32 $0x4;
	s15 =	sadd.s32 $0x4000, s12;
	[dreg:$0xe] =	wrdreg s14  }
0x13: {  	s5 =	sshrl.u32 s5, $0x3;
	s16 =	sadd.s32 $0x5000, s12;
	[dreg:$0xf] =	wrdreg s15  }
0x14: {  	s17 =	sadd.s32 $0x6000, s12;
	s18 =	sadd.s32 $0x7000, s12;
	[dreg:$0x10] =	wrdreg s16  }
0x15: {  	s19 =	sadd.s32 $0x8000, s12;
	s20 =	sadd.s32 $0x9000, s12;
	[dreg:$0x11] =	wrdreg s17  }
0x16: {  	s25 =	smax.u32 s8, $0x1;
	s26 =	sadd.s32 $0xA000, s12;
	[dreg:$0x12] =	wrdreg s18  }
0x17: {  	s28 =	sadd.s32 $0xB000, s12;
	s29 =	sadd.s32 $0xC000, s12;
	[dreg:$0x13] =	wrdreg s19  }
0x18: {  	s30 =	sadd.s32 $0xD000, s12;
	s31 =	sadd.s32 $0xE000, s12;
	[dreg:$0x14] =	wrdreg s20  }
0x19: {  	s6 =	sadd.s32 $0x12000, s12;
	s1 =	sadd.s32 s5, s1;
	[dreg:$0x18] =	wrdreg s25  }
0x1a: {  	s5 =	simm.s32 $0x13A;
	s13 =	sadd.s32 $0x2000, s12;
	[dreg:$0x19] =	wrdreg s26  }
0x1b: {  	s2 =	sadd.s32 $0x11000, s12;
	s9 =	simm.s32 $0x9680;
	s11 =	simm.s32 $0x1  }
0x1c: {  	s14 =	simm.s32 $0x20;
	s15 =	simm.s32 $0x2;
	s16 =	simm.s32 $0x3  }
0x1d: {  	s5 =	simm.s32 @!p0 $0x137;
	[dreg:$0xd] =	wrdreg s13;
	p0 =	sne.s32 s7, $0x0  }
.Ltmp0:
0x1e: {  	s1 =	sadd.s32 $0xAC00, s1;
	s7 =	sadd.s32 $0x13000, s12;
	(pc) =	sbr.rel .LBB2_1-.Ltmp0, $4  }
0x1f: {  	s13 =	simm.s32 $0x4F00;
	s21 =	sand.u32 $0x1, s5;
	s22 =	sshll.u32 s5, $0x5  }
0x20: {  	[dreg:$0x17] =	wrdreg s1;
	s1 =	sadd.s32 $0xF000, s12;
	s23 =	sadd.s32 $0xFFFFFFE0, s22  }
0x21: {  	s8 =	sshrl.u32 s5, $0x1;
	s24 =	sadd.s32 $0x2760, s22;
	[dreg:$0x15] =	wrdreg s23  }
0x22: {  	v0 =	vimm.f32 $0.0e+00;
	p1 =	seq.s32 s21, $0x0;
	[dreg:$0x16] =	wrdreg s24;
	s23 =	sadd.s32 $0x10000, s12  }
.LBB2_13:
0x23: {  	_ =	swait.ge [sflag:s16], $0x1000  }
0x24: {  	[sflag:s16] =	ssyncset.done $0x0  }
0x25: {  	s17 =	stileid.u32;
	[sflag:s16] =	ssyncadd.s32 $0xFFFFF000  }
0x26: {  	s17 =	sshll.u32 s17, $0x6;
	[bflag:$0x0] =	sbarrier.arrive $0xFFFF  }
0x27: {  	s18 =	sshrl.u32 s12, $0x3;
	s17 =	sor.u32 $0x1C04, s17;
	s19 =	rddreg [dreg:$0x17]  }
0x28: {  	[hbm:s19], [sflag:s17] =	dma.local [spmem:s18], $0x2800  }
0x29: {  	_ =	swait.ge [sflag:s10], $0x2800  }
0x2a: {  	s4 =	sadd.s32 $0x1, s4;
	s26 =	rddreg [dreg:$0x18]  }
0x2b: {  	p2 =	sne.s32 s4, s26  }
.Ltmp1:
0x2c: {  	_ = 	snop;
	(pc) =	sbr.rel @!p2 .LBB2_14-.Ltmp1, $3  }
0x2d: {  	_ =	sdelay $0x1  }
0x2e: {  	[sflag:s10] =	ssyncset.done $0x0  }
0x2f: {  	[sflag:s10] =	ssyncadd.s32 $0xFFFFD800  }
.LBB2_1:
0x30: {  	s17 =	simm.s32 @p0 $0x0;
	s18 =	rddreg [dreg:$0x6]  }
0x31: {  	[tilespmem:s17], [sflag:$0x4] =	stream.linear.gather @p0 [hbm4b:s18+s17], $0x26E0, $0x38;
	[tilespmem:$0x1E680] =	vst v63  }
0x32: {  	s18 =	simm.s32 @p0 $0x4  }
0x33: {  	_ =	swait.ge @p0 [sflag:s18], $0x26E0  }
0x34: {  	[sflag:s18] =	ssyncset.done @p0 $0x0  }
0x35: {  	s19 =	simm.s32 @p0 $0x2780;
	s20 =	rddreg [dreg:$0x7];
	[sflag:s18] =	ssyncadd.s32 @p0 $0xFFFFD920  }
0x36: {  	[tilespmem:s19], [sflag:$0x4] =	stream.linear.gather @p0 [hbm4b:s20+s17], $0x26E0, $0x38;
	[tilespmem:$0x1E680] =	vst v63  }
0x37: {  	_ =	swait.ge @p0 [sflag:s18], $0x26E0  }
0x38: {  	[sflag:s18] =	ssyncset.done @p0 $0x0  }
0x39: {  	s19 =	simm.s32 @p0 $0x4F00;
	s20 =	rddreg [dreg:$0x8];
	[sflag:s18] =	ssyncadd.s32 @p0 $0xFFFFD920  }
0x3a: {  	[tilespmem:s19], [sflag:$0x4] =	stream.linear.gather @p0 [hbm4b:s20+s17], $0x26E0, $0x38;
	[tilespmem:$0x1E680] =	vst v63  }
0x3b: {  	_ =	swait.ge @p0 [sflag:s18], $0x26E0  }
0x3c: {  	[sflag:s18] =	ssyncset.done @p0 $0x0  }
0x3d: {  	s17 =	simm.s32 @!p0 $0x0;
	[sflag:s18] =	ssyncadd.s32 @p0 $0xFFFFD920;
	s18 =	rddreg [dreg:$0x9]  }
0x3e: {  	[tilespmem:s17], [sflag:$0x4] =	stream.linear.gather @!p0 [hbm4b:s18+s17], $0x2740, $0x38;
	[tilespmem:$0x1E680] =	vst v63  }
0x3f: {  	s18 =	simm.s32 @!p0 $0x4  }
0x40: {  	_ =	swait.ge @!p0 [sflag:s18], $0x2740  }
0x41: {  	[sflag:s18] =	ssyncset.done @!p0 $0x0  }
0x42: {  	s19 =	simm.s32 @!p0 $0x2780;
	s20 =	rddreg [dreg:$0xa];
	[sflag:s18] =	ssyncadd.s32 @!p0 $0xFFFFD8C0  }
0x43: {  	[tilespmem:s19], [sflag:$0x4] =	stream.linear.gather @!p0 [hbm4b:s20+s17], $0x2740, $0x38;
	[tilespmem:$0x1E680] =	vst v63  }
0x44: {  	_ =	swait.ge @!p0 [sflag:s18], $0x2740  }
0x45: {  	[sflag:s18] =	ssyncset.done @!p0 $0x0  }
0x46: {  	s19 =	simm.s32 @!p0 $0x4F00;
	s20 =	rddreg [dreg:$0xb];
	[sflag:s18] =	ssyncadd.s32 @!p0 $0xFFFFD8C0  }
0x47: {  	[tilespmem:s19], [sflag:$0x4] =	stream.linear.gather @!p0 [hbm4b:s20+s17], $0x2740, $0x38;
	[tilespmem:$0x1E680] =	vst v63  }
0x48: {  	_ =	swait.ge @!p0 [sflag:s18], $0x2740  }
0x49: {  	[sflag:s18] =	ssyncset.done @!p0 $0x0  }
0x4a: {  	s17 =	simm.s32 $0x0;
	[sflag:s18] =	ssyncadd.s32 @!p0 $0xFFFFD8C0;
	s18 =	simm.s32 $0x200  }
.LBB2_2:
0x4b: {  	p2 =	sne.s32 s18, $0x3E00;
	[tilespmem:s17+$0x96F0] =	vst v0  }
0x4c: {  	[tilespmem:s17+$0x9680] =	vst v0  }
0x4d: {  	[tilespmem:s17+$0x9690] =	vst v0  }
.Ltmp2:
0x4e: {  	[tilespmem:s17+$0x96A0] =	vst v0;
	(pc) =	sbr.rel @p2 .LBB2_2-.Ltmp2, $4  }
0x4f: {  	[tilespmem:s17+$0x96B0] =	vst v0  }
0x50: {  	[tilespmem:s17+$0x96C0] =	vst v0  }
0x51: {  	[tilespmem:s17+$0x96D0] =	vst v0  }
0x52: {  	[tilespmem:s17+$0x96E0] =	vst v0;
	s17 =	sshra.s32 s18, $0x2;
	s18 =	sadd.s32 $0x200, s18  }
0x53: {  	[tilespmem:s17+$0x96F0] =	vst v0  }
0x54: {  	[tilespmem:s17+$0x9680] =	vst v0  }
0x55: {  	[tilespmem:s17+$0x9690] =	vst v0  }
0x56: {  	[tilespmem:s17+$0x96A0] =	vst v0  }
0x57: {  	[tilespmem:s17+$0x96B0] =	vst v0  }
0x58: {  	[tilespmem:s17+$0x96C0] =	vst v0  }
0x59: {  	[tilespmem:s17+$0x96D0] =	vst v0  }
0x5a: {  	[tilespmem:s17+$0x96E0] =	vst v0  }
0x5b: {  	[spmem:s12] =	stream.linear.scatter [tilespmem:s9], [sflag:$0x4], $0x1000, $0x38;
	[tilespmem:$0x1E680] =	vst v63  }
0x5c: {  	_ =	swait.ge [sflag:s10], $0x1000  }
0x5d: {  	[sflag:s10] =	ssyncset.done $0x0  }
0x5e: {  	s25 =	rddreg [dreg:$0xc];
	[sflag:s10] =	ssyncadd.s32 $0xFFFFF000  }
0x5f: {  	[spmem:s25] =	stream.linear.scatter [tilespmem:s9], [sflag:$0x4], $0x1000, $0x38;
	[tilespmem:$0x1E680] =	vst v63  }
0x60: {  	_ =	swait.ge [sflag:s10], $0x1000  }
0x61: {  	[sflag:s10] =	ssyncset.done $0x0  }
0x62: {  	s26 =	rddreg [dreg:$0xd];
	[sflag:s10] =	ssyncadd.s32 $0xFFFFF000  }
0x63: {  	[spmem:s26] =	stream.linear.scatter [tilespmem:s9], [sflag:$0x4], $0x1000, $0x38;
	[tilespmem:$0x1E680] =	vst v63  }
0x64: {  	_ =	swait.ge [sflag:s10], $0x1000  }
0x65: {  	[sflag:s10] =	ssyncset.done $0x0  }
0x66: {  	s18 =	rddreg [dreg:$0xe];
	[sflag:s10] =	ssyncadd.s32 $0xFFFFF000  }
0x67: {  	[spmem:s18] =	stream.linear.scatter [tilespmem:s9], [sflag:$0x4], $0x1000, $0x38;
	[tilespmem:$0x1E680] =	vst v63  }
0x68: {  	_ =	swait.ge [sflag:s10], $0x1000  }
0x69: {  	[sflag:s10] =	ssyncset.done $0x0  }
0x6a: {  	s19 =	rddreg [dreg:$0xf];
	[sflag:s10] =	ssyncadd.s32 $0xFFFFF000  }
0x6b: {  	[spmem:s19] =	stream.linear.scatter [tilespmem:s9], [sflag:$0x4], $0x1000, $0x38;
	[tilespmem:$0x1E680] =	vst v63  }
0x6c: {  	_ =	swait.ge [sflag:s10], $0x1000  }
0x6d: {  	[sflag:s10] =	ssyncset.done $0x0  }
0x6e: {  	s20 =	rddreg [dreg:$0x10];
	[sflag:s10] =	ssyncadd.s32 $0xFFFFF000  }
0x6f: {  	[spmem:s20] =	stream.linear.scatter [tilespmem:s9], [sflag:$0x4], $0x1000, $0x38;
	[tilespmem:$0x1E680] =	vst v63  }
0x70: {  	_ =	swait.ge [sflag:s10], $0x1000  }
0x71: {  	[sflag:s10] =	ssyncset.done $0x0  }
0x72: {  	s21 =	rddreg [dreg:$0x11];
	[sflag:s10] =	ssyncadd.s32 $0xFFFFF000  }
0x73: {  	[spmem:s21] =	stream.linear.scatter [tilespmem:s9], [sflag:$0x4], $0x1000, $0x38;
	[tilespmem:$0x1E680] =	vst v63  }
0x74: {  	_ =	swait.ge [sflag:s10], $0x1000  }
0x75: {  	[sflag:s10] =	ssyncset.done $0x0  }
0x76: {  	s22 =	rddreg [dreg:$0x12];
	[sflag:s10] =	ssyncadd.s32 $0xFFFFF000  }
0x77: {  	[spmem:s22] =	stream.linear.scatter [tilespmem:s9], [sflag:$0x4], $0x1000, $0x38;
	[tilespmem:$0x1E680] =	vst v63  }
0x78: {  	_ =	swait.ge [sflag:s10], $0x1000  }
0x79: {  	[sflag:s10] =	ssyncset.done $0x0  }
0x7a: {  	s24 =	rddreg [dreg:$0x13];
	[sflag:s10] =	ssyncadd.s32 $0xFFFFF000  }
0x7b: {  	[spmem:s24] =	stream.linear.scatter [tilespmem:s9], [sflag:$0x4], $0x1000, $0x38;
	[tilespmem:$0x1E680] =	vst v63  }
0x7c: {  	_ =	swait.ge [sflag:s10], $0x1000  }
0x7d: {  	[sflag:s10] =	ssyncset.done $0x0  }
0x7e: {  	s25 =	rddreg [dreg:$0x14];
	[sflag:s10] =	ssyncadd.s32 $0xFFFFF000  }
0x7f: {  	[spmem:s25] =	stream.linear.scatter [tilespmem:s9], [sflag:$0x4], $0x1000, $0x38;
	[tilespmem:$0x1E680] =	vst v63  }
0x80: {  	_ =	swait.ge [sflag:s10], $0x1000  }
0x81: {  	[sflag:s10] =	ssyncset.done $0x0  }
0x82: {  	s26 =	rddreg [dreg:$0x19];
	[sflag:s10] =	ssyncadd.s32 $0xFFFFF000  }
0x83: {  	[spmem:s26] =	stream.linear.scatter [tilespmem:s9], [sflag:$0x4], $0x1000, $0x38;
	[tilespmem:$0x1E680] =	vst v63  }
0x84: {  	_ =	swait.ge [sflag:s10], $0x1000  }
0x85: {  	[sflag:s10] =	ssyncset.done $0x0  }
0x86: {  	[sflag:s10] =	ssyncadd.s32 $0xFFFFF000  }
0x87: {  	[spmem:s28] =	stream.linear.scatter [tilespmem:s9], [sflag:$0x4], $0x1000, $0x38;
	[tilespmem:$0x1E680] =	vst v63  }
0x88: {  	_ =	swait.ge [sflag:s10], $0x1000  }
0x89: {  	[sflag:s10] =	ssyncset.done $0x0  }
0x8a: {  	[sflag:s10] =	ssyncadd.s32 $0xFFFFF000  }
0x8b: {  	[spmem:s29] =	stream.linear.scatter [tilespmem:s9], [sflag:$0x4], $0x1000, $0x38;
	[tilespmem:$0x1E680] =	vst v63  }
0x8c: {  	_ =	swait.ge [sflag:s10], $0x1000  }
0x8d: {  	[sflag:s10] =	ssyncset.done $0x0  }
0x8e: {  	[sflag:s10] =	ssyncadd.s32 $0xFFFFF000  }
0x8f: {  	[spmem:s30] =	stream.linear.scatter [tilespmem:s9], [sflag:$0x4], $0x1000, $0x38;
	[tilespmem:$0x1E680] =	vst v63  }
0x90: {  	_ =	swait.ge [sflag:s10], $0x1000  }
0x91: {  	[sflag:s10] =	ssyncset.done $0x0  }
0x92: {  	[sflag:s10] =	ssyncadd.s32 $0xFFFFF000  }
0x93: {  	[spmem:s31] =	stream.linear.scatter [tilespmem:s9], [sflag:$0x4], $0x1000, $0x38;
	[tilespmem:$0x1E680] =	vst v63  }
0x94: {  	_ =	swait.ge [sflag:s10], $0x1000  }
0x95: {  	[sflag:s10] =	ssyncset.done $0x0  }
0x96: {  	[sflag:s10] =	ssyncadd.s32 $0xFFFFF000  }
0x97: {  	[spmem:s1] =	stream.linear.scatter [tilespmem:s9], [sflag:$0x4], $0x1000, $0x38;
	[tilespmem:$0x1E680] =	vst v63  }
0x98: {  	_ =	swait.ge [sflag:s10], $0x1000  }
0x99: {  	[sflag:s10] =	ssyncset.done $0x0  }
0x9a: {  	[sflag:s10] =	ssyncadd.s32 $0xFFFFF000  }
0x9b: {  	[spmem:s23] =	stream.linear.scatter [tilespmem:s9], [sflag:$0x4], $0x1000, $0x38;
	[tilespmem:$0x1E680] =	vst v63  }
0x9c: {  	_ =	swait.ge [sflag:s10], $0x1000  }
0x9d: {  	[sflag:s10] =	ssyncset.done $0x0  }
0x9e: {  	[sflag:s10] =	ssyncadd.s32 $0xFFFFF000  }
0x9f: {  	[spmem:s2] =	stream.linear.scatter [tilespmem:s9], [sflag:$0x4], $0x1000, $0x38;
	[tilespmem:$0x1E680] =	vst v63  }
0xa0: {  	_ =	swait.ge [sflag:s10], $0x1000  }
0xa1: {  	[sflag:s10] =	ssyncset.done $0x0  }
0xa2: {  	[sflag:s10] =	ssyncadd.s32 $0xFFFFF000  }
0xa3: {  	[spmem:s6] =	stream.linear.scatter [tilespmem:s9], [sflag:$0x4], $0x1000, $0x38;
	[tilespmem:$0x1E680] =	vst v63  }
0xa4: {  	_ =	swait.ge [sflag:s10], $0x1000  }
0xa5: {  	[sflag:s10] =	ssyncset.done $0x0  }
0xa6: {  	[sflag:s10] =	ssyncadd.s32 $0xFFFFF000  }
0xa7: {  	[spmem:s7] =	stream.linear.scatter [tilespmem:s9], [sflag:$0x4], $0x1000, $0x38;
	[tilespmem:$0x1E680] =	vst v63  }
0xa8: {  	_ =	swait.ge [sflag:s10], $0x1000  }
0xa9: {  	[sflag:s10] =	ssyncset.done $0x0  }
0xaa: {  	s17 =	simm.s32 $0x20;
	[sflag:s10] =	ssyncadd.s32 $0xFFFFF000  }
0xab: {  	s18 =	simm.s32 $0x0;
	s19 =	simm.s32 $0x7680;
	[bflag:$0x0] =	sbarrier.arrive $0xFFFF  }
0xac: {  	[tilespmem:s19], [sflag:$0x1] =	stream.indirect.gather [hbm4b:s0+s17], $0x80, s18, s17, $0xb8;
	[tilespmem:$0x1E680] =	vst v63  }
0xad: {  	s19 =	simm.s32 $0x0  }
.LBB2_4:
0xae: {  	s20 =	sshllo.u32 s19, $0x1  }
0xaf: {  	p2 =	sge.u32 s20, s5  }
0xb0: {  	s21 =	sshll.u32 @!p2 s20, $0x5  }
0xb1: {  	s22 =	simm.s32 @!p2 $0x20;
	s24 =	simm.s32 @!p2 $0x8680;
	s21 =	sand.u32 @!p2 $0x3FFFFFE0, s21  }
0xb2: {  	[tilespmem:s24], [sflag:$0x2] =	stream.indirect.gather @!p2 [hbm4b:s0+s22], $0x80, s21, s22, $0xb8;
	[tilespmem:$0x1E680] =	vst v63  }
0xb3: {  	_ =	swait.ge [sflag:s11], $0x1000  }
0xb4: {  	p2 =	seq.s32 s19, $0x0;
	[sflag:s11] =	ssyncset.done $0x0  }
0xb5: {  	s21 =	simm.s32 @!p2 $0x3;
	[sflag:s11] =	ssyncadd.s32 $0xFFFFF000  }
0xb6: {  	_ =	swait.ge @!p2 [sflag:s21], $0x1000  }
0xb7: {  	v1 =	vmov s18;
	[sflag:s21] =	ssyncset.done @!p2 $0x0  }
0xb8: {  	s22 =	simm.s32 $0x0;
	[sflag:s21] =	ssyncadd.s32 @!p2 $0xFFFFF000  }
0xb9: {  	v2 =	vld [tilespmem:s22+$0x7680]  }
0xba: {  	v3 =	vld [tilespmem:s22+$0x7690]  }
0xbb: {  	v4 =	vld [tilespmem:s22+$0x76A0]  }
0xbc: {  	v1 =	vld.idx.msk [tilespmem:v1+s13+$0x0], $0xffff  }
0xbd: {  	v5 =	vld [tilespmem:s22+$0x76B0]  }
0xbe: {  	v6 =	vld [tilespmem:s22+$0x76C0]  }
0xbf: {  	v7 =	vld [tilespmem:s22+$0x76D0]  }
0xc0: {  	v8 =	vld [tilespmem:s22+$0x76E0]  }
0xc1: {  	v9 =	vld [tilespmem:s22+$0x76F0];
	v2 =	vmul.f32 v2, v1  }
0xc2: {  	v3 =	vmul.f32 v3, v1  }
0xc3: {  	v4 =	vmul.f32 v4, v1;
	[tilespmem:s22+$0x9680] =	vst v2  }
0xc4: {  	v10 =	vmul.f32 v5, v1;
	[tilespmem:s22+$0x9690] =	vst v3  }
0xc5: {  	s24 =	sadd.s32 $0x1, s18;
	v5 =	vmul.f32 v6, v1;
	v2 =	vmul.f32 v7, v1;
	[tilespmem:s22+$0x96A0] =	vst v4  }
0xc6: {  	s25 =	simm.s32 $0x80;
	s26 =	simm.s32 $0x400;
	s21 =	sshll.u32 s19, $0x1;
	v4 =	vmul.f32 v8, v1;
	v1 =	vmul.f32 v9, v1;
	v3 =	vmov s24;
	[tilespmem:s22+$0x96B0] =	vst v10  }
.LBB2_5:
0xc7: {  	p2 =	sne.s32 s26, $0x3E00;
	v6 =	vld [tilespmem:s25+$0x7680];
	[tilespmem:s22+$0x96C0] =	vst v5  }
0xc8: {  	v5 =	vld [tilespmem:s25+$0x7690];
	[tilespmem:s22+$0x96D0] =	vst v2  }
0xc9: {  	v2 =	vld [tilespmem:s25+$0x76A0];
	[tilespmem:s22+$0x96E0] =	vst v4  }
0xca: {  	v4 =	vld [tilespmem:s25+$0x76B0];
	[tilespmem:s22+$0x96F0] =	vst v1;
	s22 =	smov.u32 s25  }
0xcb: {  	v1 =	vld.idx.msk [tilespmem:v3+s13+$0x0], $0xffff  }
0xcc: {  	v3 =	vld [tilespmem:s22+$0x76C0]  }
0xcd: {  	v7 =	vld [tilespmem:s22+$0x76D0]  }
0xce: {  	v8 =	vld [tilespmem:s22+$0x76E0]  }
0xcf: {  	v9 =	vld [tilespmem:s22+$0x76F0];
	_ =	sdelay $0x1  }
0xd0: {  	v6 =	vmul.f32 v6, v1;
	v10 =	vmul.f32 v5, v1  }
.Ltmp3:
0xd1: {  	v11 =	vmul.f32 v2, v1;
	v12 =	vmul.f32 v4, v1;
	(pc) =	sbr.rel @p2 .LBB2_5-.Ltmp3, $4  }
0xd2: {  	v5 =	vmul.f32 v3, v1;
	v2 =	vmul.f32 v7, v1;
	[tilespmem:s22+$0x9680] =	vst v6  }
0xd3: {  	v4 =	vmul.f32 v8, v1;
	[tilespmem:s22+$0x9690] =	vst v10;
	v1 =	vmul.f32 v9, v1  }
0xd4: {  	s24 =	sadd.s32 $0x1, s24;
	[tilespmem:s22+$0x96A0] =	vst v11  }
0xd5: {  	s25 =	sshra.s32 s26, $0x2;
	s26 =	sadd.s32 $0x200, s26;
	v3 =	vmov s24;
	[tilespmem:s22+$0x96B0] =	vst v12  }
0xd6: {  	v6 =	vld [tilespmem:s25+$0x7680];
	[tilespmem:s22+$0x96C0] =	vst v5  }
0xd7: {  	v5 =	vld [tilespmem:s25+$0x7690];
	[tilespmem:s22+$0x96D0] =	vst v2  }
0xd8: {  	v2 =	vld [tilespmem:s25+$0x76A0];
	[tilespmem:s22+$0x96E0] =	vst v4  }
0xd9: {  	v4 =	vld [tilespmem:s25+$0x76B0];
	[tilespmem:s22+$0x96F0] =	vst v1  }
0xda: {  	v1 =	vld.idx.msk [tilespmem:v3+s13+$0x0], $0xffff;
	_ =	sdelay $0x3  }
0xdb: {  	v3 =	vld [tilespmem:s25+$0x76C0]  }
0xdc: {  	v7 =	vld [tilespmem:s25+$0x76D0];
	v6 =	vmul.f32 v6, v1  }
0xdd: {  	v8 =	vld [tilespmem:s25+$0x76E0];
	v5 =	vmul.f32 v5, v1  }
0xde: {  	v9 =	vld [tilespmem:s25+$0x76F0];
	v2 =	vmul.f32 v2, v1;
	[tilespmem:s25+$0x9680] =	vst v6  }
0xdf: {  	v4 =	vmul.f32 v4, v1;
	[tilespmem:s25+$0x9690] =	vst v5  }
0xe0: {  	v3 =	vmul.f32 v3, v1;
	[tilespmem:s25+$0x96A0] =	vst v2  }
0xe1: {  	v2 =	vmul.f32 v7, v1;
	[tilespmem:s25+$0x96B0] =	vst v4  }
0xe2: {  	v4 =	vmul.f32 v8, v1;
	[tilespmem:s25+$0x96C0] =	vst v3  }
0xe3: {  	s26 =	sshll.u32 s19, $0x8;
	s21 =	sadd.s32 $0x2, s21;
	v1 =	vmul.f32 v9, v1;
	[tilespmem:s25+$0x96D0] =	vst v2  }
0xe4: {  	p2 =	sge.u32 s21, s5;
	s22 =	sshra.s32 s26, $0x2;
	[tilespmem:s25+$0x96E0] =	vst v4  }
0xe5: {  	s21 =	sshll.u32 @!p2 s21, $0x5;
	s22 =	sadd.s32 $0x2780, s22;
	[tilespmem:s25+$0x96F0] =	vst v1  }
0xe6: {  	[spmem:s3] =	stream.indirect.scatter.add.f32 [tilespmem:s9], [sflag:$0x3], $0x80, s22, s14, $0xb8;
	[tilespmem:$0x1E680] =	vst v63  }
0xe7: {  	s24 =	simm.s32 @!p2 $0x7680;
	s21 =	sand.u32 @!p2 $0x3FFFFFE0, s21;
	s22 =	simm.s32 @!p2 $0x20  }
0xe8: {  	[tilespmem:s24], [sflag:$0x1] =	stream.indirect.gather @!p2 [hbm4b:s0+s22], $0x80, s21, s22, $0xb8;
	[tilespmem:$0x1E680] =	vst v63  }
0xe9: {  	_ =	swait.ge [sflag:s15], $0x1000  }
0xea: {  	[sflag:s15] =	ssyncset.done $0x0  }
0xeb: {  	[sflag:s15] =	ssyncadd.s32 $0xFFFFF000  }
0xec: {  	_ =	swait.ge [sflag:s16], $0x1000  }
0xed: {  	v1 =	vmov s17;
	[sflag:s16] =	ssyncset.done $0x0  }
0xee: {  	s21 =	simm.s32 $0x0;
	[sflag:s16] =	ssyncadd.s32 $0xFFFFF000  }
0xef: {  	v2 =	vld [tilespmem:s21+$0x8680]  }
0xf0: {  	v3 =	vld [tilespmem:s21+$0x8690]  }
0xf1: {  	v4 =	vld [tilespmem:s21+$0x86A0]  }
0xf2: {  	v1 =	vld.idx.msk [tilespmem:v1+s13+$0x0], $0xffff  }
0xf3: {  	v5 =	vld [tilespmem:s21+$0x86B0]  }
0xf4: {  	v6 =	vld [tilespmem:s21+$0x86C0]  }
0xf5: {  	v7 =	vld [tilespmem:s21+$0x86D0]  }
0xf6: {  	v62 =	vld [tilespmem:s21+$0x86E0]  }
0xf7: {  	v63 =	vld [tilespmem:s21+$0x86F0];
	v2 =	vmul.f32 v2, v1  }
0xf8: {  	v3 =	vmul.f32 v3, v1  }
0xf9: {  	v4 =	vmul.f32 v4, v1;
	[tilespmem:s21+$0x9680] =	vst v2  }
0xfa: {  	v10 =	vmul.f32 v5, v1;
	[tilespmem:s21+$0x9690] =	vst v3  }
0xfb: {  	s22 =	sadd.s32 $0x1, s17;
	v5 =	vmul.f32 v6, v1;
	v2 =	vmul.f32 v7, v1;
	[tilespmem:s21+$0x96A0] =	vst v4  }
0xfc: {  	s25 =	simm.s32 $0x400;
	s24 =	simm.s32 $0x80;
	v4 =	vmul.f32 v62, v1;
	v1 =	vmul.f32 v63, v1;
	v3 =	vmov s22;
	[tilespmem:s21+$0x96B0] =	vst v10  }
.LBB2_7:
0xfd: {  	p2 =	sne.s32 s25, $0x3E00;
	v6 =	vld [tilespmem:s24+$0x8680];
	[tilespmem:s21+$0x96C0] =	vst v5  }
0xfe: {  	v5 =	vld [tilespmem:s24+$0x8690];
	[tilespmem:s21+$0x96D0] =	vst v2  }
0xff: {  	v2 =	vld [tilespmem:s24+$0x86A0];
	[tilespmem:s21+$0x96E0] =	vst v4  }
0x100: {  	v4 =	vld [tilespmem:s24+$0x86B0];
	[tilespmem:s21+$0x96F0] =	vst v1;
	s21 =	smov.u32 s24  }
0x101: {  	v1 =	vld.idx.msk [tilespmem:v3+s13+$0x0], $0xffff  }
0x102: {  	v3 =	vld [tilespmem:s21+$0x86C0]  }
0x103: {  	v7 =	vld [tilespmem:s21+$0x86D0]  }
0x104: {  	v8 =	vld [tilespmem:s21+$0x86E0]  }
0x105: {  	v9 =	vld [tilespmem:s21+$0x86F0];
	_ =	sdelay $0x1  }
0x106: {  	v6 =	vmul.f32 v6, v1;
	v10 =	vmul.f32 v5, v1  }
.Ltmp4:
0x107: {  	v11 =	vmul.f32 v2, v1;
	v12 =	vmul.f32 v4, v1;
	(pc) =	sbr.rel @p2 .LBB2_7-.Ltmp4, $4  }
0x108: {  	v5 =	vmul.f32 v3, v1;
	v2 =	vmul.f32 v7, v1;
	[tilespmem:s21+$0x9680] =	vst v6  }
0x109: {  	v4 =	vmul.f32 v8, v1;
	[tilespmem:s21+$0x9690] =	vst v10;
	v1 =	vmul.f32 v9, v1  }
0x10a: {  	s22 =	sadd.s32 $0x1, s22;
	[tilespmem:s21+$0x96A0] =	vst v11  }
0x10b: {  	s24 =	sshra.s32 s25, $0x2;
	s25 =	sadd.s32 $0x200, s25;
	v3 =	vmov s22;
	[tilespmem:s21+$0x96B0] =	vst v12  }
0x10c: {  	v6 =	vld [tilespmem:s24+$0x8680];
	[tilespmem:s21+$0x96C0] =	vst v5  }
0x10d: {  	v5 =	vld [tilespmem:s24+$0x8690];
	[tilespmem:s21+$0x96D0] =	vst v2  }
0x10e: {  	v2 =	vld [tilespmem:s24+$0x86A0];
	[tilespmem:s21+$0x96E0] =	vst v4  }
0x10f: {  	v4 =	vld [tilespmem:s24+$0x86B0];
	[tilespmem:s21+$0x96F0] =	vst v1  }
0x110: {  	v1 =	vld.idx.msk [tilespmem:v3+s13+$0x0], $0xffff;
	_ =	sdelay $0x3  }
0x111: {  	v3 =	vld [tilespmem:s24+$0x86C0]  }
0x112: {  	v8 =	vld [tilespmem:s24+$0x86E0];
	v6 =	vmul.f32 v6, v1  }
0x113: {  	v7 =	vld [tilespmem:s24+$0x86D0];
	v5 =	vmul.f32 v5, v1  }
0x114: {  	v9 =	vld [tilespmem:s24+$0x86F0];
	v2 =	vmul.f32 v2, v1;
	[tilespmem:s24+$0x9680] =	vst v6  }
0x115: {  	v4 =	vmul.f32 v4, v1;
	[tilespmem:s24+$0x9690] =	vst v5  }
0x116: {  	s19 =	sadd.s32 $0x1, s19;
	v3 =	vmul.f32 v3, v1;
	[tilespmem:s24+$0x96A0] =	vst v2  }
0x117: {  	p2 =	sne.s32 s19, s8;
	v63 =	vmul.f32 v8, v1;
	[tilespmem:s24+$0x96B0] =	vst v4  }
.Ltmp5:
0x118: {  	v2 =	vmul.f32 v7, v1;
	[tilespmem:s24+$0x96C0] =	vst v3;
	(pc) =	sbr.rel @p2 .LBB2_4-.Ltmp5, $4  }
0x119: {  	s20 =	sshll.u32 s20, $0x7;
	v1 =	vmul.f32 v9, v1;
	[tilespmem:s24+$0x96E0] =	vst v63  }
0x11a: {  	s20 =	sshra.s32 s20, $0x2;
	[tilespmem:s24+$0x96D0] =	vst v2  }
0x11b: {  	s18 =	sadd.s32 $0x40, s18;
	s17 =	sadd.s32 $0x40, s17;
	s20 =	sadd.s32 $0x2780, s20;
	[tilespmem:s24+$0x96F0] =	vst v1  }
0x11c: {  	[spmem:s3] =	stream.indirect.scatter.add.f32 [tilespmem:s9], [sflag:$0x3], $0x80, s20, s14, $0xb8;
	[tilespmem:$0x1E680] =	vst v63  }
.Ltmp6:
0x11d: {  	(pc) =	sbr.rel @p1 .LBB2_13-.Ltmp6, $1  }
0x11e: {  	_ =	sdelay $0x3  }
0x11f: {  	_ =	swait.ge [sflag:s11], $0x1000  }
0x120: {  	[sflag:s11] =	ssyncset.done $0x0  }
0x121: {  	[sflag:s11] =	ssyncadd.s32 $0xFFFFF000  }
0x122: {  	_ =	swait.ge [sflag:s16], $0x1000  }
0x123: {  	s18 =	rddreg [dreg:$0x15]  }
0x124: {  	[sflag:s16] =	ssyncset.done $0x0;
	v1 =	vmov s18  }
0x125: {  	s17 =	simm.s32 $0x0;
	[sflag:s16] =	ssyncadd.s32 $0xFFFFF000  }
0x126: {  	v2 =	vld [tilespmem:s17+$0x7680]  }
0x127: {  	v3 =	vld [tilespmem:s17+$0x7690]  }
0x128: {  	v4 =	vld [tilespmem:s17+$0x76A0]  }
0x129: {  	v1 =	vld.idx.msk [tilespmem:v1+s13+$0x0], $0xffff  }
0x12a: {  	v5 =	vld [tilespmem:s17+$0x76B0]  }
0x12b: {  	v6 =	vld [tilespmem:s17+$0x76C0]  }
0x12c: {  	v7 =	vld [tilespmem:s17+$0x76D0]  }
0x12d: {  	v8 =	vld [tilespmem:s17+$0x76E0]  }
0x12e: {  	v9 =	vld [tilespmem:s17+$0x76F0];
	v2 =	vmul.f32 v2, v1  }
0x12f: {  	v3 =	vmul.f32 v3, v1  }
0x130: {  	v4 =	vmul.f32 v4, v1;
	[tilespmem:s17+$0x9680] =	vst v2  }
0x131: {  	v10 =	vmul.f32 v5, v1;
	[tilespmem:s17+$0x9690] =	vst v3  }
0x132: {  	s18 =	sadd.s32 $0x1, s18;
	v5 =	vmul.f32 v6, v1;
	v2 =	vmul.f32 v7, v1;
	[tilespmem:s17+$0x96A0] =	vst v4  }
0x133: {  	s20 =	simm.s32 $0x80;
	s19 =	simm.s32 $0x400;
	v4 =	vmul.f32 v8, v1;
	v1 =	vmul.f32 v9, v1;
	v3 =	vmov s18;
	[tilespmem:s17+$0x96B0] =	vst v10  }
.LBB2_11:
0x134: {  	p2 =	sne.s32 s19, $0x3E00;
	v6 =	vld [tilespmem:s20+$0x7680];
	[tilespmem:s17+$0x96C0] =	vst v5  }
0x135: {  	v5 =	vld [tilespmem:s20+$0x7690];
	[tilespmem:s17+$0x96D0] =	vst v2  }
0x136: {  	v2 =	vld [tilespmem:s20+$0x76A0];
	[tilespmem:s17+$0x96E0] =	vst v4  }
0x137: {  	v4 =	vld [tilespmem:s20+$0x76B0];
	[tilespmem:s17+$0x96F0] =	vst v1;
	s17 =	smov.u32 s20  }
0x138: {  	v1 =	vld.idx.msk [tilespmem:v3+s13+$0x0], $0xffff  }
0x139: {  	v3 =	vld [tilespmem:s17+$0x76C0]  }
0x13a: {  	v7 =	vld [tilespmem:s17+$0x76D0]  }
0x13b: {  	v8 =	vld [tilespmem:s17+$0x76E0]  }
0x13c: {  	v9 =	vld [tilespmem:s17+$0x76F0];
	_ =	sdelay $0x1  }
0x13d: {  	v6 =	vmul.f32 v6, v1;
	v10 =	vmul.f32 v5, v1  }
.Ltmp7:
0x13e: {  	v11 =	vmul.f32 v2, v1;
	v12 =	vmul.f32 v4, v1;
	(pc) =	sbr.rel @p2 .LBB2_11-.Ltmp7, $4  }
0x13f: {  	v5 =	vmul.f32 v3, v1;
	v2 =	vmul.f32 v7, v1;
	[tilespmem:s17+$0x9680] =	vst v6  }
0x140: {  	v4 =	vmul.f32 v8, v1;
	[tilespmem:s17+$0x9690] =	vst v10;
	v1 =	vmul.f32 v9, v1  }
0x141: {  	s18 =	sadd.s32 $0x1, s18;
	[tilespmem:s17+$0x96A0] =	vst v11  }
0x142: {  	s20 =	sshra.s32 s19, $0x2;
	s19 =	sadd.s32 $0x200, s19;
	v3 =	vmov s18;
	[tilespmem:s17+$0x96B0] =	vst v12  }
0x143: {  	v6 =	vld [tilespmem:s20+$0x7680];
	[tilespmem:s17+$0x96C0] =	vst v5  }
0x144: {  	v5 =	vld [tilespmem:s20+$0x7690];
	[tilespmem:s17+$0x96D0] =	vst v2  }
0x145: {  	v2 =	vld [tilespmem:s20+$0x76A0];
	[tilespmem:s17+$0x96E0] =	vst v4  }
0x146: {  	v4 =	vld [tilespmem:s20+$0x76B0];
	[tilespmem:s17+$0x96F0] =	vst v1  }
0x147: {  	v1 =	vld.idx.msk [tilespmem:v3+s13+$0x0], $0xffff;
	_ =	sdelay $0x3  }
0x148: {  	v3 =	vld [tilespmem:s20+$0x76C0]  }
0x149: {  	v8 =	vld [tilespmem:s20+$0x76E0];
	v6 =	vmul.f32 v6, v1  }
0x14a: {  	v7 =	vld [tilespmem:s20+$0x76D0];
	v5 =	vmul.f32 v5, v1  }
0x14b: {  	v9 =	vld [tilespmem:s20+$0x76F0];
	v2 =	vmul.f32 v2, v1;
	[tilespmem:s20+$0x9680] =	vst v6  }
0x14c: {  	v4 =	vmul.f32 v4, v1;
	[tilespmem:s20+$0x9690] =	vst v5  }
0x14d: {  	v3 =	vmul.f32 v3, v1;
	[tilespmem:s20+$0x96A0] =	vst v2  }
0x14e: {  	v63 =	vmul.f32 v8, v1;
	[tilespmem:s20+$0x96B0] =	vst v4  }
.Ltmp8:
0x14f: {  	v2 =	vmul.f32 v7, v1;
	[tilespmem:s20+$0x96C0] =	vst v3;
	(pc) =	sbr.rel .LBB2_13-.Ltmp8, $4  }
0x150: {  	v1 =	vmul.f32 v9, v1;
	[tilespmem:s20+$0x96E0] =	vst v63  }
0x151: {  	[tilespmem:s20+$0x96D0] =	vst v2  }
0x152: {  	s26 =	rddreg [dreg:$0x16];
	[tilespmem:s20+$0x96F0] =	vst v1  }
0x153: {  	[spmem:s3] =	stream.indirect.scatter.add.f32 [tilespmem:s9], [sflag:$0x3], $0x80, s26, s14, $0xb8;
	[tilespmem:$0x1E680] =	vst v63  }
.LBB2_14:
0x154: {  	_ =	sfence.sel $0x180000  }
0x155: {  	[bflag:$0x0] =	sbarrier.arrive $0xFFFF  }
0x156: {  	_ =	strace $0x90000047  }
0x157: {  	s0 =	stileid.u32;
	[bflag:$0x2] =	sbarrier.arrive $0xFFFF  }
0x158: {  	p0 =	sne.s32 s0, $0x0;
	s0 =	rddreg [dreg:$0x5]  }
0x159: {  	s0 =	sadd.s32 @!p0 $0x100000, s0  }
0x15a: {  	[sflag:s0] =	ssyncadd.tile.s32 @!p0 $0x1;
	_ =	shalt  }
.Lfunc_end2:
_tile_overlayer_lowered:
.L_overlay_start_2:
0x15b: {  	(tag) =	ssettag $0x2  }
0x15c: {  	s0 =	rddreg [dreg:$0x0];
	s2 =	stileid.u32  }
0x15d: {  	s1 =	rddreg [dreg:$0x1];
	p0 =	sne.s32 s2, $0x0  }
0x15e: {  	s3 =	rddreg [dreg:$0x2];
	[bflag:$0x3] =	sbarrier.arrive $0xFFFF;
	s2 =	simm.s32 @!p0 $0x1C04  }
0x15f: {  	[timem:s3], [sflag:s2] =	dma.local @!p0 [hbm:s0], s1  }
0x160: {  	s0 =	simm.s32 @!p0 $0x4  }
0x161: {  	_ =	swait.ge @!p0 [sflag:s0], s1  }
0x162: {  	s1 =	ssub.s32 @!p0 $0x0, s1;
	[sflag:s0] =	ssyncset.done @!p0 $0x0  }
0x163: {  	[sflag:s0] =	ssyncadd.s32 @!p0 s1  }
0x164: {  	[bflag:$0x3] =	sbarrier.arrive $0xFFFF  }
0x165: {  	_ =	shalt  }

</sc_bundles>
